<compile_context>
chip_gen: v7x
topology: tpu7x:2x2x1
jax: 0.10.2.dev20260603
libtpu: 0.0.44.dev20260713+nightly
codegen_flags: <defaults>
</compile_context>

<pallas_src>
import dataclasses
import functools

import jax
import jax.numpy as jnp
from jax import lax
from jax.experimental import pallas as pl
from jax.experimental.pallas import tpu as pltpu
from jax.experimental.pallas import tpu_sc as plsc

N = 10000
E = 320000
D_FEAT = 128
N_CLASSES = 16

NS = 16
L = 16
NP = 10240
NSLICE = NP // NS
EPW = E // NS
UNROLL = 10
assert EPW % (L * UNROLL) == 0


def _rsqrt16(x):
    i = plsc.bitcast(x, jnp.int32)
    i = 0x5F3759DF - lax.shift_right_arithmetic(i, 1)
    y = plsc.bitcast(i, jnp.float32)
    for _ in range(3):
        y = y * (1.5 - 0.5 * x * y * y)
    return y


def _sc_body(edge_hbm, t16_hbm,
             s_out, q_out, inv_out, scale_out,
             deg_p, c_p, s_p, qful, dbuf, sbuf, red, red_c, qsl, invsl, tbuf,
             scbuf, stage_deg, stage_c, sem0, sem1):
    cid = lax.axis_index("c")
    sid = lax.axis_index("s")

    @pl.when(cid == 0)
    def _core0():
        zf = jnp.zeros((L,), jnp.float32)
        ones = jnp.ones((L,), jnp.float32)

        base_e = sid * EPW
        dcp = pltpu.async_copy(edge_hbm.at[pl.ds(E + base_e, EPW)], dbuf,
                               sem0)
        scp = pltpu.async_copy(edge_hbm.at[pl.ds(base_e, EPW)], sbuf, sem1)

        @pl.loop(0, NP, step=L)
        def _zero(i):
            deg_p[pl.ds(i, L)] = zf
            c_p[pl.ds(i, L)] = zf
            s_p[pl.ds(i, L)] = zf

        pltpu.sync_copy(t16_hbm, tbuf)
        tvec = tbuf[...]
        dcp.wait()
        scp.wait()

        @plsc.parallel_loop(0, EPW, step=L, unroll=UNROLL)
        def _hist(i):
            d16 = dbuf[pl.ds(i, L)]
            s16 = sbuf[pl.ds(i, L)]
            plsc.addupdate_scatter(deg_p, [d16], ones)
            plsc.addupdate_scatter(c_p, [s16], ones, mask=d16 == tvec)

        dcp2 = pltpu.async_copy(deg_p, stage_deg.at[sid], sem0)
        scp2 = pltpu.async_copy(c_p, stage_c.at[sid], sem1)
        dcp2.wait()
        scp2.wait()
        plsc.subcore_barrier()

        colbase = sid * NSLICE
        rcp = pltpu.async_copy(stage_deg.at[:, pl.ds(colbase, NSLICE)], red,
                               sem0)
        ccp = pltpu.async_copy(stage_c.at[:, pl.ds(colbase, NSLICE)], red_c,
                               sem1)
        rcp.wait()

        @pl.loop(0, NSLICE, step=L)
        def _inv(j):
            acc = red[0, pl.ds(j, L)]
            for w in range(1, NS):
                acc = acc + red[w, pl.ds(j, L)]
            invsl[pl.ds(j, L)] = _rsqrt16(acc + 1.0)

        ccp.wait()
        scbuf[...] = zf
        iota16 = jnp.arange(L, dtype=jnp.int32)

        @pl.loop(0, NSLICE, step=L)
        def _q(j):
            acc = red_c[0, pl.ds(j, L)]
            for w in range(1, NS):
                acc = acc + red_c[w, pl.ds(j, L)]
            inv16 = invsl[pl.ds(j, L)]
            tm = (colbase + j + iota16) == tvec
            q16 = inv16 * inv16 * (acc + jnp.where(tm, 1.0, 0.0))
            qsl[pl.ds(j, L)] = q16
            scbuf[...] = scbuf[...] + jnp.where(tm, inv16, 0.0)

        qcp = pltpu.async_copy(qsl, q_out.at[pl.ds(colbase, NSLICE)], sem0)
        icp = pltpu.async_copy(invsl, inv_out.at[pl.ds(colbase, NSLICE)],
                               sem1)
        pltpu.sync_copy(scbuf, scale_out.at[sid])
        qcp.wait()
        icp.wait()
        plsc.subcore_barrier()
        pltpu.sync_copy(q_out, qful)

        @plsc.parallel_loop(0, EPW, step=L, unroll=UNROLL)
        def _accum(i):
            d16 = dbuf[pl.ds(i, L)]
            s16 = sbuf[pl.ds(i, L)]
            qv = plsc.load_gather(qful, [d16])
            plsc.addupdate_scatter(s_p, [s16], qv)

        pltpu.sync_copy(s_p, s_out.at[sid])


def _sc_stage(edge_index, t16):
    f32 = jnp.float32
    mesh = plsc.VectorSubcoreMesh(core_axis_name="c", subcore_axis_name="s",
                                  num_cores=2, num_subcores=NS)
    cp = pltpu.CompilerParams()
    if "needs_layout_passes" in pltpu.CompilerParams.__dataclass_fields__:
        cp = dataclasses.replace(cp, needs_layout_passes=False)
    fn = pl.kernel(
        _sc_body,
        out_type=(
            jax.ShapeDtypeStruct((NS, NP), f32),
            jax.ShapeDtypeStruct((NP,), f32),
            jax.ShapeDtypeStruct((NP,), f32),
            jax.ShapeDtypeStruct((NS, L), f32),
        ),
        mesh=mesh,
        scratch_types=[
            pltpu.VMEM((NP,), f32),
            pltpu.VMEM((NP,), f32),
            pltpu.VMEM((NP,), f32),
            pltpu.VMEM((NP,), f32),
            pltpu.VMEM((EPW,), jnp.int32),
            pltpu.VMEM((EPW,), jnp.int32),
            pltpu.VMEM((NS, NSLICE), f32),
            pltpu.VMEM((NS, NSLICE), f32),
            pltpu.VMEM((NSLICE,), f32),
            pltpu.VMEM((NSLICE,), f32),
            pltpu.VMEM((L,), jnp.int32),
            pltpu.VMEM((L,), f32),
            pltpu.VMEM_SHARED((NS, NP), f32),
            pltpu.VMEM_SHARED((NS, NP), f32),
            pltpu.SemaphoreType.DMA,
            pltpu.SemaphoreType.DMA,
        ],
        compiler_params=cp,
    )
    return fn(edge_index.reshape(2 * E), t16)


def _tc_body(s_ref, q_ref, inv_ref, sc_ref, x_ref, w_ref, o_ref):
    s_sum = jnp.sum(s_ref[...], axis=0, keepdims=True)
    rho = inv_ref[...] * (s_sum + q_ref[...])
    n0 = (N // 128) * 128
    y = jnp.dot(rho[:, :n0], x_ref[:n0, :],
                preferred_element_type=jnp.float32)
    y = y + jnp.dot(rho[:, n0:N], x_ref[n0:, :],
                    preferred_element_type=jnp.float32)
    logits = jnp.dot(y, w_ref[...], preferred_element_type=jnp.float32)
    o_ref[...] = logits * jnp.sum(sc_ref[...])


def _tc_stage(s_out, q_out, inv_out, scale_out, features, W):
    return pl.pallas_call(
        _tc_body,
        out_shape=jax.ShapeDtypeStruct((1, N_CLASSES), jnp.float32),
    )(s_out, q_out.reshape(1, NP), inv_out.reshape(1, NP), scale_out,
      features, W)


def kernel(features, edge_index, W, target_node):
    t16 = jnp.full((L,), target_node, dtype=jnp.int32)
    s_out, q_out, inv_out, scale_out = _sc_stage(edge_index, t16)
    out = _tc_stage(s_out, q_out, inv_out, scale_out, features, W)
    return out.reshape(N_CLASSES)

# --- scband reference (transcript-rebuilt; emitter-appended) ---
"""Pipeline reference for scband-my-attacker-73607149519451 (READ-ONLY COPY).

The authoritative reference and input builder live on the scoring server;
editing this copy changes nothing except your own understanding.
"""

import jax, jax.numpy as jnp
import numpy as np

N = 10000
E = 320000
D_FEAT = 128
N_CLASSES = 16


def setup_inputs(seed: int = 0) -> dict:
    key = jax.random.key(seed)
    k1, k2, k3 = jax.random.split(key, 3)
    features = jax.random.normal(k1, (N, D_FEAT), dtype=jnp.float32)
    edge_index = jax.random.randint(k2, (2, E), 0, N, dtype=jnp.int32)
    W = jax.random.normal(k3, (D_FEAT, N_CLASSES), dtype=jnp.float32) * 0.05
    target_node = 1234
    return {"features": features, "edge_index": edge_index, "W": W, "target_node": target_node}


def _a_hat_apply(edge_index, z):
    # Normalized adjacency with self-loops: A_hat = D^{-1/2} (A + I) D^{-1/2}
    # Faithful jax translation of preprocess_graph + sparse matvec used in
    # compute_logits (linearized 2-layer GCN: A_hat @ A_hat @ (X @ W)).
    src = edge_index[0]
    dst = edge_index[1]
    # row sums of (A + I): in-degree via scatter-add plus self-loop
    deg = jnp.zeros((N,), dtype=jnp.float32).at[dst].add(1.0) + 1.0
    inv_sqrt = 1.0 / jnp.sqrt(deg)
    # edge weights 1/sqrt(d_dst * d_src)
    w = inv_sqrt[dst] * inv_sqrt[src]
    # gather source rows, weight, scatter-add into destination rows
    out = jnp.zeros_like(z).at[dst].add(w[:, None] * z[src])
    # self-loop contribution: 1/d_i * z_i
    out = out + (inv_sqrt * inv_sqrt)[:, None] * z
    return out


def reference(features, edge_index, W, target_node):
    # compute_logits: preprocessed_adj.dot(preprocessed_adj).dot(features.dot(W))[target_node]
    Z = features @ W
    h = _a_hat_apply(edge_index, Z)
    logits = _a_hat_apply(edge_index, h)
    return logits[target_node]

if __name__ == "__main__":
    import jax
    _d = setup_inputs()
    print(jax.jit(kernel)(*tuple(_d.values())))

</pallas_src>

<mosaic_0001>
#map = affine_map<(d0, d1) -> (0)>
#map1 = affine_map<(d0, d1) -> (0, 0)>
module attributes {stable_mosaic.version = 14 : i64} {
  func.func @_sc_body(%arg0: i32, %arg1: i32, %arg2: memref<640000xi32, #tpu.memory_space<hbm>>, %arg3: memref<16xi32, #tpu.memory_space<hbm>>, %arg4: memref<16x10240xf32, #tpu.memory_space<hbm>>, %arg5: memref<10240xf32, #tpu.memory_space<hbm>>, %arg6: memref<10240xf32, #tpu.memory_space<hbm>>, %arg7: memref<16x16xf32, #tpu.memory_space<hbm>>, %arg8: memref<10240xf32, #tpu.memory_space<vmem>>, %arg9: memref<10240xf32, #tpu.memory_space<vmem>>, %arg10: memref<10240xf32, #tpu.memory_space<vmem>>, %arg11: memref<10240xf32, #tpu.memory_space<vmem>>, %arg12: memref<20000xi32, #tpu.memory_space<vmem>>, %arg13: memref<20000xi32, #tpu.memory_space<vmem>>, %arg14: memref<16x640xf32, #tpu.memory_space<vmem>>, %arg15: memref<16x640xf32, #tpu.memory_space<vmem>>, %arg16: memref<640xf32, #tpu.memory_space<vmem>>, %arg17: memref<640xf32, #tpu.memory_space<vmem>>, %arg18: memref<16xi32, #tpu.memory_space<vmem>>, %arg19: memref<16xf32, #tpu.memory_space<vmem>>, %arg20: memref<16x10240xf32, #tpu.memory_space<vmem_shared>>, %arg21: memref<16x10240xf32, #tpu.memory_space<vmem_shared>>, %arg22: memref<!tpu.dma_semaphore, #tpu.memory_space<semaphore_mem>>, %arg23: memref<!tpu.dma_semaphore, #tpu.memory_space<semaphore_mem>>) attributes {dimension_semantics = [#tpu.dimension_semantics<core_parallel>, #tpu.dimension_semantics<subcore_parallel>], iteration_bounds = array<i64: 2, 16>, scalar_prefetch = 0 : i64, scratch_operands = 16 : i64, tpu.core_type = #tpu.core_type<sc_vector_subcore>, window_params = [{transform_indices = #map}, {transform_indices = #map}, {transform_indices = #map1}, {transform_indices = #map}, {transform_indices = #map}, {transform_indices = #map1}]} {
    %eq3A = arith.constant 0 : i32
    %eq3A_0 = arith.cmpi eq, %arg0, %eq3A : i32
    %convert_element_type3A = arith.extui %eq3A_0 : i1 to i32
    %cond3A = arith.constant 0 : i32
    %cond3A_1 = arith.cmpi ne, %convert_element_type3A, %cond3A : i32
    scf.if %cond3A_1 {
      %broadcast_in_dim3A = arith.constant 0.000000e+00 : f32
      %broadcast_in_dim3A_2 = vector.broadcast %broadcast_in_dim3A : f32 to vector<16xf32>
      %broadcast_in_dim3A_3 = arith.constant 1.000000e+00 : f32
      %broadcast_in_dim3A_4 = vector.broadcast %broadcast_in_dim3A_3 : f32 to vector<16xf32>
      %mul3A = arith.constant 20000 : i32
      %mul3A_5 = arith.muli %arg1, %mul3A : i32
      %add3A = arith.constant 320000 : i32
      %add3A_6 = arith.addi %add3A, %mul3A_5 : i32
      %dma_start3A = tpu.memref_slice %arg2[%add3A_6] : memref<640000xi32, #tpu.memory_space<hbm>> -> memref<20000xi32, #tpu.memory_space<hbm>>
      %dma_start3A_7 = tpu.memref_slice %arg2[%add3A_6] : memref<640000xi32, #tpu.memory_space<hbm>> -> memref<20000xi32, #tpu.memory_space<hbm>>
      tpu.enqueue_dma source(%dma_start3A_7 : memref<20000xi32, #tpu.memory_space<hbm>>) target(%arg12 : memref<20000xi32, #tpu.memory_space<vmem>>) target_semaphore(%arg22 : memref<!tpu.dma_semaphore, #tpu.memory_space<semaphore_mem>>)
      %dma_start3A_8 = tpu.memref_slice %arg2[%mul3A_5] : memref<640000xi32, #tpu.memory_space<hbm>> -> memref<20000xi32, #tpu.memory_space<hbm>>
      %dma_start3A_9 = tpu.memref_slice %arg2[%mul3A_5] : memref<640000xi32, #tpu.memory_space<hbm>> -> memref<20000xi32, #tpu.memory_space<hbm>>
      tpu.enqueue_dma source(%dma_start3A_9 : memref<20000xi32, #tpu.memory_space<hbm>>) target(%arg13 : memref<20000xi32, #tpu.memory_space<vmem>>) target_semaphore(%arg23 : memref<!tpu.dma_semaphore, #tpu.memory_space<semaphore_mem>>)
      %scan3A = arith.constant 0 : i32
      %scan3A_10 = arith.constant 640 : i32
      %scan3A_11 = arith.addi %scan3A, %scan3A_10 : i32
      %scan3A_12 = arith.constant 1 : i32
      scf.for %scan3A_85 = %scan3A to %scan3A_11 step %scan3A_12  : i32 {
        %mul3A_86 = arith.constant 16 : i32
        %mul3A_87 = arith.muli %scan3A_85, %mul3A_86 : i32
        %add3A_88 = arith.constant 0 : i32
        %add3A_89 = arith.addi %add3A_88, %mul3A_87 : i32
        %swap3A_90 = arith.index_cast %add3A_89 : i32 to index
        %swap3A_91 = tpu.vector_load %arg8[%swap3A_90] {strides = array<i32>} : memref<10240xf32, #tpu.memory_space<vmem>>, vector<16xf32>,
        tpu.vector_store %arg8[%swap3A_90], %broadcast_in_dim3A_2 {strides = array<i32>} : memref<10240xf32, #tpu.memory_space<vmem>>, vector<16xf32>,
        %swap3A_92 = arith.index_cast %add3A_89 : i32 to index
        %swap3A_93 = tpu.vector_load %arg9[%swap3A_92] {strides = array<i32>} : memref<10240xf32, #tpu.memory_space<vmem>>, vector<16xf32>,
        tpu.vector_store %arg9[%swap3A_92], %broadcast_in_dim3A_2 {strides = array<i32>} : memref<10240xf32, #tpu.memory_space<vmem>>, vector<16xf32>,
        %swap3A_94 = arith.index_cast %add3A_89 : i32 to index
        %swap3A_95 = tpu.vector_load %arg10[%swap3A_94] {strides = array<i32>} : memref<10240xf32, #tpu.memory_space<vmem>>, vector<16xf32>,
        tpu.vector_store %arg10[%swap3A_94], %broadcast_in_dim3A_2 {strides = array<i32>} : memref<10240xf32, #tpu.memory_space<vmem>>, vector<16xf32>,
      }
      %scan3A_13 = arith.constant 640 : i32
      "tpu.region"() ({
        %run_scoped3A = tpu.sem_alloc : memref<!tpu.dma_semaphore, #tpu.memory_space<semaphore_mem>>
        tpu.enqueue_dma source(%arg3 : memref<16xi32, #tpu.memory_space<hbm>>) target(%arg18 : memref<16xi32, #tpu.memory_space<vmem>>) target_semaphore(%run_scoped3A : memref<!tpu.dma_semaphore, #tpu.memory_space<semaphore_mem>>)
        tpu.wait_dma2 semaphore(%run_scoped3A : memref<!tpu.dma_semaphore, #tpu.memory_space<semaphore_mem>>) src(%arg3 : memref<16xi32, #tpu.memory_space<hbm>>) dst(%arg18 : memref<16xi32, #tpu.memory_space<vmem>>)
        tpu.yield
      }) : () -> ()
      %get3A = arith.constant 0 : index
      %get3A_14 = tpu.vector_load %arg18[%get3A] {strides = array<i32>} : memref<16xi32, #tpu.memory_space<vmem>>, vector<16xi32>,
      %dma_wait3A = tpu.memref_slice %arg2[%add3A_6] : memref<640000xi32, #tpu.memory_space<hbm>> -> memref<20000xi32, #tpu.memory_space<hbm>>
      %dma_wait3A_15 = tpu.memref_slice %arg2[%add3A_6] : memref<640000xi32, #tpu.memory_space<hbm>> -> memref<20000xi32, #tpu.memory_space<hbm>>
      tpu.wait_dma2 semaphore(%arg22 : memref<!tpu.dma_semaphore, #tpu.memory_space<semaphore_mem>>) src(%dma_wait3A_15 : memref<20000xi32, #tpu.memory_space<hbm>>) dst(%arg12 : memref<20000xi32, #tpu.memory_space<vmem>>)
      %dma_wait3A_16 = tpu.memref_slice %arg2[%mul3A_5] : memref<640000xi32, #tpu.memory_space<hbm>> -> memref<20000xi32, #tpu.memory_space<hbm>>
      %dma_wait3A_17 = tpu.memref_slice %arg2[%mul3A_5] : memref<640000xi32, #tpu.memory_space<hbm>> -> memref<20000xi32, #tpu.memory_space<hbm>>
      tpu.wait_dma2 semaphore(%arg23 : memref<!tpu.dma_semaphore, #tpu.memory_space<semaphore_mem>>) src(%dma_wait3A_17 : memref<20000xi32, #tpu.memory_space<hbm>>) dst(%arg13 : memref<20000xi32, #tpu.memory_space<vmem>>)
      %parallel_loop3A = arith.constant 0 : i32
      %parallel_loop3A_18 = arith.constant 20000 : i32
      %parallel_loop3A_19 = arith.constant 16 : i32
      scf.for %parallel_loop3A_85 = %parallel_loop3A to %parallel_loop3A_18 step %parallel_loop3A_19  : i32 {
        %parallel_loop3A_86 = arith.index_cast %parallel_loop3A_85 : i32 to index
        %parallel_loop3A_87 = tpu.vector_load %arg12[%parallel_loop3A_86] {strides = array<i32>} : memref<20000xi32, #tpu.memory_space<vmem>>, vector<16xi32>,
        %parallel_loop3A_88 = arith.index_cast %parallel_loop3A_85 : i32 to index
        %parallel_loop3A_89 = tpu.vector_load %arg13[%parallel_loop3A_88] {strides = array<i32>} : memref<20000xi32, #tpu.memory_space<vmem>>, vector<16xi32>,
        tpu.vector_store_idx %arg8[%parallel_loop3A_87], %broadcast_in_dim3A_4 {add = true} : memref<10240xf32, #tpu.memory_space<vmem>>[vector<16xi32>], vector<16xf32>,
        %parallel_loop3A_90 = arith.cmpi eq, %parallel_loop3A_87, %get3A_14 : vector<16xi32>
        tpu.vector_store_idx %arg9[%parallel_loop3A_89], %broadcast_in_dim3A_4 masked %parallel_loop3A_90 {add = true} : memref<10240xf32, #tpu.memory_space<vmem>>[vector<16xi32>], vector<16xf32>, vector<16xi1>
      } {sc.loop_unroll_factor = 10 : i64, sc.parallel_access}
      %dma_start3A_20 = arith.constant 0 : i32
      %dma_start3A_21 = tpu.memref_slice %arg20[%arg1, %dma_start3A_20] : memref<16x10240xf32, #tpu.memory_space<vmem_shared>> -> memref<1x10240xf32, #tpu.memory_space<vmem_shared>>
      %dma_start3A_22 = tpu.memref_squeeze %dma_start3A_21 : memref<1x10240xf32, #tpu.memory_space<vmem_shared>> -> memref<10240xf32, #tpu.memory_space<vmem_shared>>
      %dma_start3A_23 = arith.constant 0 : i32
      %dma_start3A_24 = tpu.memref_slice %arg20[%arg1, %dma_start3A_23] : memref<16x10240xf32, #tpu.memory_space<vmem_shared>> -> memref<1x10240xf32, #tpu.memory_space<vmem_shared>>
      %dma_start3A_25 = tpu.memref_squeeze %dma_start3A_24 : memref<1x10240xf32, #tpu.memory_space<vmem_shared>> -> memref<10240xf32, #tpu.memory_space<vmem_shared>>
      tpu.enqueue_dma source(%arg8 : memref<10240xf32, #tpu.memory_space<vmem>>) target(%dma_start3A_25 : memref<10240xf32, #tpu.memory_space<vmem_shared>>) target_semaphore(%arg22 : memref<!tpu.dma_semaphore, #tpu.memory_space<semaphore_mem>>)
      %dma_start3A_26 = arith.constant 0 : i32
      %dma_start3A_27 = tpu.memref_slice %arg21[%arg1, %dma_start3A_26] : memref<16x10240xf32, #tpu.memory_space<vmem_shared>> -> memref<1x10240xf32, #tpu.memory_space<vmem_shared>>
      %dma_start3A_28 = tpu.memref_squeeze %dma_start3A_27 : memref<1x10240xf32, #tpu.memory_space<vmem_shared>> -> memref<10240xf32, #tpu.memory_space<vmem_shared>>
      %dma_start3A_29 = arith.constant 0 : i32
      %dma_start3A_30 = tpu.memref_slice %arg21[%arg1, %dma_start3A_29] : memref<16x10240xf32, #tpu.memory_space<vmem_shared>> -> memref<1x10240xf32, #tpu.memory_space<vmem_shared>>
      %dma_start3A_31 = tpu.memref_squeeze %dma_start3A_30 : memref<1x10240xf32, #tpu.memory_space<vmem_shared>> -> memref<10240xf32, #tpu.memory_space<vmem_shared>>
      tpu.enqueue_dma source(%arg9 : memref<10240xf32, #tpu.memory_space<vmem>>) target(%dma_start3A_31 : memref<10240xf32, #tpu.memory_space<vmem_shared>>) target_semaphore(%arg23 : memref<!tpu.dma_semaphore, #tpu.memory_space<semaphore_mem>>)
      %dma_wait3A_32 = arith.constant 0 : i32
      %dma_wait3A_33 = tpu.memref_slice %arg20[%arg1, %dma_wait3A_32] : memref<16x10240xf32, #tpu.memory_space<vmem_shared>> -> memref<1x10240xf32, #tpu.memory_space<vmem_shared>>
      %dma_wait3A_34 = tpu.memref_squeeze %dma_wait3A_33 : memref<1x10240xf32, #tpu.memory_space<vmem_shared>> -> memref<10240xf32, #tpu.memory_space<vmem_shared>>
      %dma_wait3A_35 = arith.constant 0 : i32
      %dma_wait3A_36 = tpu.memref_slice %arg20[%arg1, %dma_wait3A_35] : memref<16x10240xf32, #tpu.memory_space<vmem_shared>> -> memref<1x10240xf32, #tpu.memory_space<vmem_shared>>
      %dma_wait3A_37 = tpu.memref_squeeze %dma_wait3A_36 : memref<1x10240xf32, #tpu.memory_space<vmem_shared>> -> memref<10240xf32, #tpu.memory_space<vmem_shared>>
      tpu.wait_dma2 semaphore(%arg22 : memref<!tpu.dma_semaphore, #tpu.memory_space<semaphore_mem>>) src(%arg8 : memref<10240xf32, #tpu.memory_space<vmem>>) dst(%dma_wait3A_37 : memref<10240xf32, #tpu.memory_space<vmem_shared>>)
      %dma_wait3A_38 = arith.constant 0 : i32
      %dma_wait3A_39 = tpu.memref_slice %arg21[%arg1, %dma_wait3A_38] : memref<16x10240xf32, #tpu.memory_space<vmem_shared>> -> memref<1x10240xf32, #tpu.memory_space<vmem_shared>>
      %dma_wait3A_40 = tpu.memref_squeeze %dma_wait3A_39 : memref<1x10240xf32, #tpu.memory_space<vmem_shared>> -> memref<10240xf32, #tpu.memory_space<vmem_shared>>
      %dma_wait3A_41 = arith.constant 0 : i32
      %dma_wait3A_42 = tpu.memref_slice %arg21[%arg1, %dma_wait3A_41] : memref<16x10240xf32, #tpu.memory_space<vmem_shared>> -> memref<1x10240xf32, #tpu.memory_space<vmem_shared>>
      %dma_wait3A_43 = tpu.memref_squeeze %dma_wait3A_42 : memref<1x10240xf32, #tpu.memory_space<vmem_shared>> -> memref<10240xf32, #tpu.memory_space<vmem_shared>>
      tpu.wait_dma2 semaphore(%arg23 : memref<!tpu.dma_semaphore, #tpu.memory_space<semaphore_mem>>) src(%arg9 : memref<10240xf32, #tpu.memory_space<vmem>>) dst(%dma_wait3A_43 : memref<10240xf32, #tpu.memory_space<vmem_shared>>)
      %barrier3A = arith.constant 0 : index
      tpu.barrier barrier_id(%barrier3A)
      %mul3A_44 = arith.constant 640 : i32
      %mul3A_45 = arith.muli %arg1, %mul3A_44 : i32
      %dma_start3A_46 = arith.constant 0 : i32
      %dma_start3A_47 = tpu.memref_slice %arg20[%dma_start3A_46, %mul3A_45] : memref<16x10240xf32, #tpu.memory_space<vmem_shared>> -> memref<16x640xf32, #tpu.memory_space<vmem_shared>>
      %dma_start3A_48 = arith.constant 0 : i32
      %dma_start3A_49 = tpu.memref_slice %arg20[%dma_start3A_48, %mul3A_45] : memref<16x10240xf32, #tpu.memory_space<vmem_shared>> -> memref<16x640xf32, #tpu.memory_space<vmem_shared>>
      tpu.enqueue_dma source(%dma_start3A_49 : memref<16x640xf32, #tpu.memory_space<vmem_shared>>) target(%arg14 : memref<16x640xf32, #tpu.memory_space<vmem>>) target_semaphore(%arg22 : memref<!tpu.dma_semaphore, #tpu.memory_space<semaphore_mem>>)
      %dma_start3A_50 = arith.constant 0 : i32
      %dma_start3A_51 = tpu.memref_slice %arg21[%dma_start3A_50, %mul3A_45] : memref<16x10240xf32, #tpu.memory_space<vmem_shared>> -> memref<16x640xf32, #tpu.memory_space<vmem_shared>>
      %dma_start3A_52 = arith.constant 0 : i32
      %dma_start3A_53 = tpu.memref_slice %arg21[%dma_start3A_52, %mul3A_45] : memref<16x10240xf32, #tpu.memory_space<vmem_shared>> -> memref<16x640xf32, #tpu.memory_space<vmem_shared>>
      tpu.enqueue_dma source(%dma_start3A_53 : memref<16x640xf32, #tpu.memory_space<vmem_shared>>) target(%arg15 : memref<16x640xf32, #tpu.memory_space<vmem>>) target_semaphore(%arg23 : memref<!tpu.dma_semaphore, #tpu.memory_space<semaphore_mem>>)
      %dma_wait3A_54 = arith.constant 0 : i32
      %dma_wait3A_55 = tpu.memref_slice %arg20[%dma_wait3A_54, %mul3A_45] : memref<16x10240xf32, #tpu.memory_space<vmem_shared>> -> memref<16x640xf32, #tpu.memory_space<vmem_shared>>
      %dma_wait3A_56 = arith.constant 0 : i32
      %dma_wait3A_57 = tpu.memref_slice %arg20[%dma_wait3A_56, %mul3A_45] : memref<16x10240xf32, #tpu.memory_space<vmem_shared>> -> memref<16x640xf32, #tpu.memory_space<vmem_shared>>
      tpu.wait_dma2 semaphore(%arg22 : memref<!tpu.dma_semaphore, #tpu.memory_space<semaphore_mem>>) src(%dma_wait3A_57 : memref<16x640xf32, #tpu.memory_space<vmem_shared>>) dst(%arg14 : memref<16x640xf32, #tpu.memory_space<vmem>>)
      %scan3A_58 = arith.constant 0 : i32
      %scan3A_59 = arith.constant 40 : i32
      %scan3A_60 = arith.addi %scan3A_58, %scan3A_59 : i32
      %scan3A_61 = arith.constant 1 : i32
      scf.for %scan3A_85 = %scan3A_58 to %scan3A_60 step %scan3A_61  : i32 {
        %mul3A_86 = arith.constant 16 : i32
        %mul3A_87 = arith.muli %scan3A_85, %mul3A_86 : i32
        %add3A_88 = arith.constant 0 : i32
        %add3A_89 = arith.addi %add3A_88, %mul3A_87 : i32
        %get3A_90 = arith.constant 0 : i32
        %get3A_91 = arith.index_cast %get3A_90 : i32 to index
        %get3A_92 = arith.index_cast %add3A_89 : i32 to index
        %get3A_93 = tpu.vector_load %arg14[%get3A_91, %get3A_92] {strides = array<i32>} : memref<16x640xf32, #tpu.memory_space<vmem>>, vector<16xf32>,
        %get3A_94 = arith.constant 1 : i32
        %get3A_95 = arith.index_cast %get3A_94 : i32 to index
        %get3A_96 = arith.index_cast %add3A_89 : i32 to index
        %get3A_97 = tpu.vector_load %arg14[%get3A_95, %get3A_96] {strides = array<i32>} : memref<16x640xf32, #tpu.memory_space<vmem>>, vector<16xf32>,
        %add3A_98 = arith.addf %get3A_93, %get3A_97 : vector<16xf32>
        %get3A_99 = arith.constant 2 : i32
        %get3A_100 = arith.index_cast %get3A_99 : i32 to index
        %get3A_101 = arith.index_cast %add3A_89 : i32 to index
        %get3A_102 = tpu.vector_load %arg14[%get3A_100, %get3A_101] {strides = array<i32>} : memref<16x640xf32, #tpu.memory_space<vmem>>, vector<16xf32>,
        %add3A_103 = arith.addf %add3A_98, %get3A_102 : vector<16xf32>
        %get3A_104 = arith.constant 3 : i32
        %get3A_105 = arith.index_cast %get3A_104 : i32 to index
        %get3A_106 = arith.index_cast %add3A_89 : i32 to index
        %get3A_107 = tpu.vector_load %arg14[%get3A_105, %get3A_106] {strides = array<i32>} : memref<16x640xf32, #tpu.memory_space<vmem>>, vector<16xf32>,
        %add3A_108 = arith.addf %add3A_103, %get3A_107 : vector<16xf32>
        %get3A_109 = arith.constant 4 : i32
        %get3A_110 = arith.index_cast %get3A_109 : i32 to index
        %get3A_111 = arith.index_cast %add3A_89 : i32 to index
        %get3A_112 = tpu.vector_load %arg14[%get3A_110, %get3A_111] {strides = array<i32>} : memref<16x640xf32, #tpu.memory_space<vmem>>, vector<16xf32>,
        %add3A_113 = arith.addf %add3A_108, %get3A_112 : vector<16xf32>
        %get3A_114 = arith.constant 5 : i32
        %get3A_115 = arith.index_cast %get3A_114 : i32 to index
        %get3A_116 = arith.index_cast %add3A_89 : i32 to index
        %get3A_117 = tpu.vector_load %arg14[%get3A_115, %get3A_116] {strides = array<i32>} : memref<16x640xf32, #tpu.memory_space<vmem>>, vector<16xf32>,
        %add3A_118 = arith.addf %add3A_113, %get3A_117 : vector<16xf32>
        %get3A_119 = arith.constant 6 : i32
        %get3A_120 = arith.index_cast %get3A_119 : i32 to index
        %get3A_121 = arith.index_cast %add3A_89 : i32 to index
        %get3A_122 = tpu.vector_load %arg14[%get3A_120, %get3A_121] {strides = array<i32>} : memref<16x640xf32, #tpu.memory_space<vmem>>, vector<16xf32>,
        %add3A_123 = arith.addf %add3A_118, %get3A_122 : vector<16xf32>
        %get3A_124 = arith.constant 7 : i32
        %get3A_125 = arith.index_cast %get3A_124 : i32 to index
        %get3A_126 = arith.index_cast %add3A_89 : i32 to index
        %get3A_127 = tpu.vector_load %arg14[%get3A_125, %get3A_126] {strides = array<i32>} : memref<16x640xf32, #tpu.memory_space<vmem>>, vector<16xf32>,
        %add3A_128 = arith.addf %add3A_123, %get3A_127 : vector<16xf32>
        %get3A_129 = arith.constant 8 : i32
        %get3A_130 = arith.index_cast %get3A_129 : i32 to index
        %get3A_131 = arith.index_cast %add3A_89 : i32 to index
        %get3A_132 = tpu.vector_load %arg14[%get3A_130, %get3A_131] {strides = array<i32>} : memref<16x640xf32, #tpu.memory_space<vmem>>, vector<16xf32>,
        %add3A_133 = arith.addf %add3A_128, %get3A_132 : vector<16xf32>
        %get3A_134 = arith.constant 9 : i32
        %get3A_135 = arith.index_cast %get3A_134 : i32 to index
        %get3A_136 = arith.index_cast %add3A_89 : i32 to index
        %get3A_137 = tpu.vector_load %arg14[%get3A_135, %get3A_136] {strides = array<i32>} : memref<16x640xf32, #tpu.memory_space<vmem>>, vector<16xf32>,
        %add3A_138 = arith.addf %add3A_133, %get3A_137 : vector<16xf32>
        %get3A_139 = arith.constant 10 : i32
        %get3A_140 = arith.index_cast %get3A_139 : i32 to index
        %get3A_141 = arith.index_cast %add3A_89 : i32 to index
        %get3A_142 = tpu.vector_load %arg14[%get3A_140, %get3A_141] {strides = array<i32>} : memref<16x640xf32, #tpu.memory_space<vmem>>, vector<16xf32>,
        %add3A_143 = arith.addf %add3A_138, %get3A_142 : vector<16xf32>
        %get3A_144 = arith.constant 11 : i32
        %get3A_145 = arith.index_cast %get3A_144 : i32 to index
        %get3A_146 = arith.index_cast %add3A_89 : i32 to index
        %get3A_147 = tpu.vector_load %arg14[%get3A_145, %get3A_146] {strides = array<i32>} : memref<16x640xf32, #tpu.memory_space<vmem>>, vector<16xf32>,
        %add3A_148 = arith.addf %add3A_143, %get3A_147 : vector<16xf32>
        %get3A_149 = arith.constant 12 : i32
        %get3A_150 = arith.index_cast %get3A_149 : i32 to index
        %get3A_151 = arith.index_cast %add3A_89 : i32 to index
        %get3A_152 = tpu.vector_load %arg14[%get3A_150, %get3A_151] {strides = array<i32>} : memref<16x640xf32, #tpu.memory_space<vmem>>, vector<16xf32>,
        %add3A_153 = arith.addf %add3A_148, %get3A_152 : vector<16xf32>
        %get3A_154 = arith.constant 13 : i32
        %get3A_155 = arith.index_cast %get3A_154 : i32 to index
        %get3A_156 = arith.index_cast %add3A_89 : i32 to index
        %get3A_157 = tpu.vector_load %arg14[%get3A_155, %get3A_156] {strides = array<i32>} : memref<16x640xf32, #tpu.memory_space<vmem>>, vector<16xf32>,
        %add3A_158 = arith.addf %add3A_153, %get3A_157 : vector<16xf32>
        %get3A_159 = arith.constant 14 : i32
        %get3A_160 = arith.index_cast %get3A_159 : i32 to index
        %get3A_161 = arith.index_cast %add3A_89 : i32 to index
        %get3A_162 = tpu.vector_load %arg14[%get3A_160, %get3A_161] {strides = array<i32>} : memref<16x640xf32, #tpu.memory_space<vmem>>, vector<16xf32>,
        %add3A_163 = arith.addf %add3A_158, %get3A_162 : vector<16xf32>
        %get3A_164 = arith.constant 15 : i32
        %get3A_165 = arith.index_cast %get3A_164 : i32 to index
        %get3A_166 = arith.index_cast %add3A_89 : i32 to index
        %get3A_167 = tpu.vector_load %arg14[%get3A_165, %get3A_166] {strides = array<i32>} : memref<16x640xf32, #tpu.memory_space<vmem>>, vector<16xf32>,
        %add3A_168 = arith.addf %add3A_163, %get3A_167 : vector<16xf32>
        %add3A_169 = arith.constant 1.000000e+00 : f32
        %add3A_170 = vector.broadcast %add3A_169 : f32 to vector<16xf32>
        %add3A_171 = arith.addf %add3A_168, %add3A_170 : vector<16xf32>
        %bitcast3A = vector.bitcast %add3A_171 : vector<16xf32> to vector<16xi32>
        %shift_right_arithmetic3A = arith.constant 1 : i32
        %shift_right_arithmetic3A_172 = vector.broadcast %shift_right_arithmetic3A : i32 to vector<16xi32>
        %shift_right_arithmetic3A_173 = arith.shrsi %bitcast3A, %shift_right_arithmetic3A_172 : vector<16xi32>
        %sub3A = arith.constant 1597463007 : i32
        %sub3A_174 = vector.broadcast %sub3A : i32 to vector<16xi32>
        %sub3A_175 = arith.subi %sub3A_174, %shift_right_arithmetic3A_173 : vector<16xi32>
        %bitcast3A_176 = vector.bitcast %sub3A_175 : vector<16xi32> to vector<16xf32>
        %mul3A_177 = arith.constant 5.000000e-01 : f32
        %mul3A_178 = vector.broadcast %mul3A_177 : f32 to vector<16xf32>
        %mul3A_179 = arith.mulf %mul3A_178, %add3A_171 : vector<16xf32>
        %mul3A_180 = arith.mulf %mul3A_179, %bitcast3A_176 : vector<16xf32>
        %mul3A_181 = arith.mulf %mul3A_180, %bitcast3A_176 : vector<16xf32>
        %sub3A_182 = arith.constant 1.500000e+00 : f32
        %sub3A_183 = vector.broadcast %sub3A_182 : f32 to vector<16xf32>
        %sub3A_184 = arith.subf %sub3A_183, %mul3A_181 : vector<16xf32>
        %mul3A_185 = arith.mulf %bitcast3A_176, %sub3A_184 : vector<16xf32>
        %mul3A_186 = arith.constant 5.000000e-01 : f32
        %mul3A_187 = vector.broadcast %mul3A_186 : f32 to vector<16xf32>
        %mul3A_188 = arith.mulf %mul3A_187, %add3A_171 : vector<16xf32>
        %mul3A_189 = arith.mulf %mul3A_188, %mul3A_185 : vector<16xf32>
        %mul3A_190 = arith.mulf %mul3A_189, %mul3A_185 : vector<16xf32>
        %sub3A_191 = arith.constant 1.500000e+00 : f32
        %sub3A_192 = vector.broadcast %sub3A_191 : f32 to vector<16xf32>
        %sub3A_193 = arith.subf %sub3A_192, %mul3A_190 : vector<16xf32>
        %mul3A_194 = arith.mulf %mul3A_185, %sub3A_193 : vector<16xf32>
        %mul3A_195 = arith.constant 5.000000e-01 : f32
        %mul3A_196 = vector.broadcast %mul3A_195 : f32 to vector<16xf32>
        %mul3A_197 = arith.mulf %mul3A_196, %add3A_171 : vector<16xf32>
        %mul3A_198 = arith.mulf %mul3A_197, %mul3A_194 : vector<16xf32>
        %mul3A_199 = arith.mulf %mul3A_198, %mul3A_194 : vector<16xf32>
        %sub3A_200 = arith.constant 1.500000e+00 : f32
        %sub3A_201 = vector.broadcast %sub3A_200 : f32 to vector<16xf32>
        %sub3A_202 = arith.subf %sub3A_201, %mul3A_199 : vector<16xf32>
        %mul3A_203 = arith.mulf %mul3A_194, %sub3A_202 : vector<16xf32>
        %swap3A_204 = arith.index_cast %add3A_89 : i32 to index
        %swap3A_205 = tpu.vector_load %arg17[%swap3A_204] {strides = array<i32>} : memref<640xf32, #tpu.memory_space<vmem>>, vector<16xf32>,
        tpu.vector_store %arg17[%swap3A_204], %mul3A_203 {strides = array<i32>} : memref<640xf32, #tpu.memory_space<vmem>>, vector<16xf32>,
      }
      %scan3A_62 = arith.constant 40 : i32
      %dma_wait3A_63 = arith.constant 0 : i32
      %dma_wait3A_64 = tpu.memref_slice %arg21[%dma_wait3A_63, %mul3A_45] : memref<16x10240xf32, #tpu.memory_space<vmem_shared>> -> memref<16x640xf32, #tpu.memory_space<vmem_shared>>
      %dma_wait3A_65 = arith.constant 0 : i32
      %dma_wait3A_66 = tpu.memref_slice %arg21[%dma_wait3A_65, %mul3A_45] : memref<16x10240xf32, #tpu.memory_space<vmem_shared>> -> memref<16x640xf32, #tpu.memory_space<vmem_shared>>
      tpu.wait_dma2 semaphore(%arg23 : memref<!tpu.dma_semaphore, #tpu.memory_space<semaphore_mem>>) src(%dma_wait3A_66 : memref<16x640xf32, #tpu.memory_space<vmem_shared>>) dst(%arg15 : memref<16x640xf32, #tpu.memory_space<vmem>>)
      %swap3A = arith.constant 0 : index
      %swap3A_67 = tpu.vector_load %arg19[%swap3A] {strides = array<i32>} : memref<16xf32, #tpu.memory_space<vmem>>, vector<16xf32>,
      tpu.vector_store %arg19[%swap3A], %broadcast_in_dim3A_2 {strides = array<i32>} : memref<16xf32, #tpu.memory_space<vmem>>, vector<16xf32>,
      %iota3A = tpu.iota {dimensions = array<i32: 0>} : vector<16xi32>
      %scan3A_68 = arith.constant 0 : i32
      %scan3A_69 = arith.constant 40 : i32
      %scan3A_70 = arith.addi %scan3A_68, %scan3A_69 : i32
      %scan3A_71 = arith.constant 1 : i32
      scf.for %scan3A_85 = %scan3A_68 to %scan3A_70 step %scan3A_71  : i32 {
        %mul3A_86 = arith.constant 16 : i32
        %mul3A_87 = arith.muli %scan3A_85, %mul3A_86 : i32
        %add3A_88 = arith.constant 0 : i32
        %add3A_89 = arith.addi %add3A_88, %mul3A_87 : i32
        %get3A_90 = arith.constant 0 : i32
        %get3A_91 = arith.index_cast %get3A_90 : i32 to index
        %get3A_92 = arith.index_cast %add3A_89 : i32 to index
        %get3A_93 = tpu.vector_load %arg15[%get3A_91, %get3A_92] {strides = array<i32>} : memref<16x640xf32, #tpu.memory_space<vmem>>, vector<16xf32>,
        %get3A_94 = arith.constant 1 : i32
        %get3A_95 = arith.index_cast %get3A_94 : i32 to index
        %get3A_96 = arith.index_cast %add3A_89 : i32 to index
        %get3A_97 = tpu.vector_load %arg15[%get3A_95, %get3A_96] {strides = array<i32>} : memref<16x640xf32, #tpu.memory_space<vmem>>, vector<16xf32>,
        %add3A_98 = arith.addf %get3A_93, %get3A_97 : vector<16xf32>
        %get3A_99 = arith.constant 2 : i32
        %get3A_100 = arith.index_cast %get3A_99 : i32 to index
        %get3A_101 = arith.index_cast %add3A_89 : i32 to index
        %get3A_102 = tpu.vector_load %arg15[%get3A_100, %get3A_101] {strides = array<i32>} : memref<16x640xf32, #tpu.memory_space<vmem>>, vector<16xf32>,
        %add3A_103 = arith.addf %add3A_98, %get3A_102 : vector<16xf32>
        %get3A_104 = arith.constant 3 : i32
        %get3A_105 = arith.index_cast %get3A_104 : i32 to index
        %get3A_106 = arith.index_cast %add3A_89 : i32 to index
        %get3A_107 = tpu.vector_load %arg15[%get3A_105, %get3A_106] {strides = array<i32>} : memref<16x640xf32, #tpu.memory_space<vmem>>, vector<16xf32>,
        %add3A_108 = arith.addf %add3A_103, %get3A_107 : vector<16xf32>
        %get3A_109 = arith.constant 4 : i32
        %get3A_110 = arith.index_cast %get3A_109 : i32 to index
        %get3A_111 = arith.index_cast %add3A_89 : i32 to index
        %get3A_112 = tpu.vector_load %arg15[%get3A_110, %get3A_111] {strides = array<i32>} : memref<16x640xf32, #tpu.memory_space<vmem>>, vector<16xf32>,
        %add3A_113 = arith.addf %add3A_108, %get3A_112 : vector<16xf32>
        %get3A_114 = arith.constant 5 : i32
        %get3A_115 = arith.index_cast %get3A_114 : i32 to index
        %get3A_116 = arith.index_cast %add3A_89 : i32 to index
        %get3A_117 = tpu.vector_load %arg15[%get3A_115, %get3A_116] {strides = array<i32>} : memref<16x640xf32, #tpu.memory_space<vmem>>, vector<16xf32>,
        %add3A_118 = arith.addf %add3A_113, %get3A_117 : vector<16xf32>
        %get3A_119 = arith.constant 6 : i32
        %get3A_120 = arith.index_cast %get3A_119 : i32 to index
        %get3A_121 = arith.index_cast %add3A_89 : i32 to index
        %get3A_122 = tpu.vector_load %arg15[%get3A_120, %get3A_121] {strides = array<i32>} : memref<16x640xf32, #tpu.memory_space<vmem>>, vector<16xf32>,
        %add3A_123 = arith.addf %add3A_118, %get3A_122 : vector<16xf32>
        %get3A_124 = arith.constant 7 : i32
        %get3A_125 = arith.index_cast %get3A_124 : i32 to index
        %get3A_126 = arith.index_cast %add3A_89 : i32 to index
        %get3A_127 = tpu.vector_load %arg15[%get3A_125, %get3A_126] {strides = array<i32>} : memref<16x640xf32, #tpu.memory_space<vmem>>, vector<16xf32>,
        %add3A_128 = arith.addf %add3A_123, %get3A_127 : vector<16xf32>
        %get3A_129 = arith.constant 8 : i32
        %get3A_130 = arith.index_cast %get3A_129 : i32 to index
        %get3A_131 = arith.index_cast %add3A_89 : i32 to index
        %get3A_132 = tpu.vector_load %arg15[%get3A_130, %get3A_131] {strides = array<i32>} : memref<16x640xf32, #tpu.memory_space<vmem>>, vector<16xf32>,
        %add3A_133 = arith.addf %add3A_128, %get3A_132 : vector<16xf32>
        %get3A_134 = arith.constant 9 : i32
        %get3A_135 = arith.index_cast %get3A_134 : i32 to index
        %get3A_136 = arith.index_cast %add3A_89 : i32 to index
        %get3A_137 = tpu.vector_load %arg15[%get3A_135, %get3A_136] {strides = array<i32>} : memref<16x640xf32, #tpu.memory_space<vmem>>, vector<16xf32>,
        %add3A_138 = arith.addf %add3A_133, %get3A_137 : vector<16xf32>
        %get3A_139 = arith.constant 10 : i32
        %get3A_140 = arith.index_cast %get3A_139 : i32 to index
        %get3A_141 = arith.index_cast %add3A_89 : i32 to index
        %get3A_142 = tpu.vector_load %arg15[%get3A_140, %get3A_141] {strides = array<i32>} : memref<16x640xf32, #tpu.memory_space<vmem>>, vector<16xf32>,
        %add3A_143 = arith.addf %add3A_138, %get3A_142 : vector<16xf32>
        %get3A_144 = arith.constant 11 : i32
        %get3A_145 = arith.index_cast %get3A_144 : i32 to index
        %get3A_146 = arith.index_cast %add3A_89 : i32 to index
        %get3A_147 = tpu.vector_load %arg15[%get3A_145, %get3A_146] {strides = array<i32>} : memref<16x640xf32, #tpu.memory_space<vmem>>, vector<16xf32>,
        %add3A_148 = arith.addf %add3A_143, %get3A_147 : vector<16xf32>
        %get3A_149 = arith.constant 12 : i32
        %get3A_150 = arith.index_cast %get3A_149 : i32 to index
        %get3A_151 = arith.index_cast %add3A_89 : i32 to index
        %get3A_152 = tpu.vector_load %arg15[%get3A_150, %get3A_151] {strides = array<i32>} : memref<16x640xf32, #tpu.memory_space<vmem>>, vector<16xf32>,
        %add3A_153 = arith.addf %add3A_148, %get3A_152 : vector<16xf32>
        %get3A_154 = arith.constant 13 : i32
        %get3A_155 = arith.index_cast %get3A_154 : i32 to index
        %get3A_156 = arith.index_cast %add3A_89 : i32 to index
        %get3A_157 = tpu.vector_load %arg15[%get3A_155, %get3A_156] {strides = array<i32>} : memref<16x640xf32, #tpu.memory_space<vmem>>, vector<16xf32>,
        %add3A_158 = arith.addf %add3A_153, %get3A_157 : vector<16xf32>
        %get3A_159 = arith.constant 14 : i32
        %get3A_160 = arith.index_cast %get3A_159 : i32 to index
        %get3A_161 = arith.index_cast %add3A_89 : i32 to index
        %get3A_162 = tpu.vector_load %arg15[%get3A_160, %get3A_161] {strides = array<i32>} : memref<16x640xf32, #tpu.memory_space<vmem>>, vector<16xf32>,
        %add3A_163 = arith.addf %add3A_158, %get3A_162 : vector<16xf32>
        %get3A_164 = arith.constant 15 : i32
        %get3A_165 = arith.index_cast %get3A_164 : i32 to index
        %get3A_166 = arith.index_cast %add3A_89 : i32 to index
        %get3A_167 = tpu.vector_load %arg15[%get3A_165, %get3A_166] {strides = array<i32>} : memref<16x640xf32, #tpu.memory_space<vmem>>, vector<16xf32>,
        %add3A_168 = arith.addf %add3A_163, %get3A_167 : vector<16xf32>
        %get3A_169 = arith.index_cast %add3A_89 : i32 to index
        %get3A_170 = tpu.vector_load %arg17[%get3A_169] {strides = array<i32>} : memref<640xf32, #tpu.memory_space<vmem>>, vector<16xf32>,
        %add3A_171 = arith.addi %mul3A_45, %add3A_89 : i32
        %add3A_172 = vector.broadcast %add3A_171 : i32 to vector<16xi32>
        %add3A_173 = arith.addi %add3A_172, %iota3A : vector<16xi32>
        %eq3A_174 = arith.cmpi eq, %add3A_173, %get3A_14 : vector<16xi32>
        %mul3A_175 = arith.mulf %get3A_170, %get3A_170 : vector<16xf32>
        %jit3A = arith.constant 1.000000e+00 : f32
        %jit3A_176 = arith.constant 0.000000e+00 : f32
        %broadcast_in_dim3A_177 = vector.broadcast %jit3A : f32 to vector<16xf32>
        %broadcast_in_dim3A_178 = vector.broadcast %jit3A_176 : f32 to vector<16xf32>
        %select_n3A = arith.select %eq3A_174, %broadcast_in_dim3A_177, %broadcast_in_dim3A_178 : vector<16xi1>, vector<16xf32>
        %add3A_179 = arith.addf %add3A_168, %select_n3A : vector<16xf32>
        %mul3A_180 = arith.mulf %mul3A_175, %add3A_179 : vector<16xf32>
        %swap3A_181 = arith.index_cast %add3A_89 : i32 to index
        %swap3A_182 = tpu.vector_load %arg16[%swap3A_181] {strides = array<i32>} : memref<640xf32, #tpu.memory_space<vmem>>, vector<16xf32>,
        tpu.vector_store %arg16[%swap3A_181], %mul3A_180 {strides = array<i32>} : memref<640xf32, #tpu.memory_space<vmem>>, vector<16xf32>,
        %get3A_183 = arith.constant 0 : index
        %get3A_184 = tpu.vector_load %arg19[%get3A_183] {strides = array<i32>} : memref<16xf32, #tpu.memory_space<vmem>>, vector<16xf32>,
        %jit3A_185 = arith.constant 0.000000e+00 : f32
        %broadcast_in_dim3A_186 = vector.broadcast %jit3A_185 : f32 to vector<16xf32>
        %select_n3A_187 = arith.select %eq3A_174, %get3A_170, %broadcast_in_dim3A_186 : vector<16xi1>, vector<16xf32>
        %add3A_188 = arith.addf %get3A_184, %select_n3A_187 : vector<16xf32>
        %swap3A_189 = arith.constant 0 : index
        %swap3A_190 = tpu.vector_load %arg19[%swap3A_189] {strides = array<i32>} : memref<16xf32, #tpu.memory_space<vmem>>, vector<16xf32>,
        tpu.vector_store %arg19[%swap3A_189], %add3A_188 {strides = array<i32>} : memref<16xf32, #tpu.memory_space<vmem>>, vector<16xf32>,
      }
      %scan3A_72 = arith.constant 40 : i32
      %dma_start3A_73 = tpu.memref_slice %arg5[%mul3A_45] : memref<10240xf32, #tpu.memory_space<hbm>> -> memref<640xf32, #tpu.memory_space<hbm>>
      %dma_start3A_74 = tpu.memref_slice %arg5[%mul3A_45] : memref<10240xf32, #tpu.memory_space<hbm>> -> memref<640xf32, #tpu.memory_space<hbm>>
      tpu.enqueue_dma source(%arg16 : memref<640xf32, #tpu.memory_space<vmem>>) target(%dma_start3A_74 : memref<640xf32, #tpu.memory_space<hbm>>) target_semaphore(%arg22 : memref<!tpu.dma_semaphore, #tpu.memory_space<semaphore_mem>>)
      %dma_start3A_75 = tpu.memref_slice %arg6[%mul3A_45] : memref<10240xf32, #tpu.memory_space<hbm>> -> memref<640xf32, #tpu.memory_space<hbm>>
      %dma_start3A_76 = tpu.memref_slice %arg6[%mul3A_45] : memref<10240xf32, #tpu.memory_space<hbm>> -> memref<640xf32, #tpu.memory_space<hbm>>
      tpu.enqueue_dma source(%arg17 : memref<640xf32, #tpu.memory_space<vmem>>) target(%dma_start3A_76 : memref<640xf32, #tpu.memory_space<hbm>>) target_semaphore(%arg23 : memref<!tpu.dma_semaphore, #tpu.memory_space<semaphore_mem>>)
      "tpu.region"() ({
        %run_scoped3A = tpu.sem_alloc : memref<!tpu.dma_semaphore, #tpu.memory_space<semaphore_mem>>
        %dma_start3A_85 = arith.constant 0 : i32
        %dma_start3A_86 = tpu.memref_slice %arg7[%arg1, %dma_start3A_85] : memref<16x16xf32, #tpu.memory_space<hbm>> -> memref<1x16xf32, #tpu.memory_space<hbm>>
        %dma_start3A_87 = tpu.memref_squeeze %dma_start3A_86 : memref<1x16xf32, #tpu.memory_space<hbm>> -> memref<16xf32, #tpu.memory_space<hbm>>
        %dma_start3A_88 = arith.constant 0 : i32
        %dma_start3A_89 = tpu.memref_slice %arg7[%arg1, %dma_start3A_88] : memref<16x16xf32, #tpu.memory_space<hbm>> -> memref<1x16xf32, #tpu.memory_space<hbm>>
        %dma_start3A_90 = tpu.memref_squeeze %dma_start3A_89 : memref<1x16xf32, #tpu.memory_space<hbm>> -> memref<16xf32, #tpu.memory_space<hbm>>
        tpu.enqueue_dma source(%arg19 : memref<16xf32, #tpu.memory_space<vmem>>) target(%dma_start3A_90 : memref<16xf32, #tpu.memory_space<hbm>>) target_semaphore(%run_scoped3A : memref<!tpu.dma_semaphore, #tpu.memory_space<semaphore_mem>>)
        %dma_wait3A_91 = arith.constant 0 : i32
        %dma_wait3A_92 = tpu.memref_slice %arg7[%arg1, %dma_wait3A_91] : memref<16x16xf32, #tpu.memory_space<hbm>> -> memref<1x16xf32, #tpu.memory_space<hbm>>
        %dma_wait3A_93 = tpu.memref_squeeze %dma_wait3A_92 : memref<1x16xf32, #tpu.memory_space<hbm>> -> memref<16xf32, #tpu.memory_space<hbm>>
        %dma_wait3A_94 = arith.constant 0 : i32
        %dma_wait3A_95 = tpu.memref_slice %arg7[%arg1, %dma_wait3A_94] : memref<16x16xf32, #tpu.memory_space<hbm>> -> memref<1x16xf32, #tpu.memory_space<hbm>>
        %dma_wait3A_96 = tpu.memref_squeeze %dma_wait3A_95 : memref<1x16xf32, #tpu.memory_space<hbm>> -> memref<16xf32, #tpu.memory_space<hbm>>
        tpu.wait_dma2 semaphore(%run_scoped3A : memref<!tpu.dma_semaphore, #tpu.memory_space<semaphore_mem>>) src(%arg19 : memref<16xf32, #tpu.memory_space<vmem>>) dst(%dma_wait3A_96 : memref<16xf32, #tpu.memory_space<hbm>>)
        tpu.yield
      }) : () -> ()
      %dma_wait3A_77 = tpu.memref_slice %arg5[%mul3A_45] : memref<10240xf32, #tpu.memory_space<hbm>> -> memref<640xf32, #tpu.memory_space<hbm>>
      %dma_wait3A_78 = tpu.memref_slice %arg5[%mul3A_45] : memref<10240xf32, #tpu.memory_space<hbm>> -> memref<640xf32, #tpu.memory_space<hbm>>
      tpu.wait_dma2 semaphore(%arg22 : memref<!tpu.dma_semaphore, #tpu.memory_space<semaphore_mem>>) src(%arg16 : memref<640xf32, #tpu.memory_space<vmem>>) dst(%dma_wait3A_78 : memref<640xf32, #tpu.memory_space<hbm>>)
      %dma_wait3A_79 = tpu.memref_slice %arg6[%mul3A_45] : memref<10240xf32, #tpu.memory_space<hbm>> -> memref<640xf32, #tpu.memory_space<hbm>>
      %dma_wait3A_80 = tpu.memref_slice %arg6[%mul3A_45] : memref<10240xf32, #tpu.memory_space<hbm>> -> memref<640xf32, #tpu.memory_space<hbm>>
      tpu.wait_dma2 semaphore(%arg23 : memref<!tpu.dma_semaphore, #tpu.memory_space<semaphore_mem>>) src(%arg17 : memref<640xf32, #tpu.memory_space<vmem>>) dst(%dma_wait3A_80 : memref<640xf32, #tpu.memory_space<hbm>>)
      %barrier3A_81 = arith.constant 0 : index
      tpu.barrier barrier_id(%barrier3A_81)
      "tpu.region"() ({
        %run_scoped3A = tpu.sem_alloc : memref<!tpu.dma_semaphore, #tpu.memory_space<semaphore_mem>>
        tpu.enqueue_dma source(%arg5 : memref<10240xf32, #tpu.memory_space<hbm>>) target(%arg11 : memref<10240xf32, #tpu.memory_space<vmem>>) target_semaphore(%run_scoped3A : memref<!tpu.dma_semaphore, #tpu.memory_space<semaphore_mem>>)
        tpu.wait_dma2 semaphore(%run_scoped3A : memref<!tpu.dma_semaphore, #tpu.memory_space<semaphore_mem>>) src(%arg5 : memref<10240xf32, #tpu.memory_space<hbm>>) dst(%arg11 : memref<10240xf32, #tpu.memory_space<vmem>>)
        tpu.yield
      }) : () -> ()
      %parallel_loop3A_82 = arith.constant 0 : i32
      %parallel_loop3A_83 = arith.constant 20000 : i32
      %parallel_loop3A_84 = arith.constant 16 : i32
      scf.for %parallel_loop3A_85 = %parallel_loop3A_82 to %parallel_loop3A_83 step %parallel_loop3A_84  : i32 {
        %parallel_loop3A_86 = arith.index_cast %parallel_loop3A_85 : i32 to index
        %parallel_loop3A_87 = tpu.vector_load %arg12[%parallel_loop3A_86] {strides = array<i32>} : memref<20000xi32, #tpu.memory_space<vmem>>, vector<16xi32>,
        %parallel_loop3A_88 = arith.index_cast %parallel_loop3A_85 : i32 to index
        %parallel_loop3A_89 = tpu.vector_load %arg13[%parallel_loop3A_88] {strides = array<i32>} : memref<20000xi32, #tpu.memory_space<vmem>>, vector<16xi32>,
        %parallel_loop3A_90 = tpu.vector_load_idx %arg11[%parallel_loop3A_87] : memref<10240xf32, #tpu.memory_space<vmem>>[vector<16xi32>], vector<16xf32>,
        tpu.vector_store_idx %arg10[%parallel_loop3A_89], %parallel_loop3A_90 {add = true} : memref<10240xf32, #tpu.memory_space<vmem>>[vector<16xi32>], vector<16xf32>,
      } {sc.loop_unroll_factor = 10 : i64, sc.parallel_access}
      "tpu.region"() ({
        %run_scoped3A = tpu.sem_alloc : memref<!tpu.dma_semaphore, #tpu.memory_space<semaphore_mem>>
        %dma_start3A_85 = arith.constant 0 : i32
        %dma_start3A_86 = tpu.memref_slice %arg4[%arg1, %dma_start3A_85] : memref<16x10240xf32, #tpu.memory_space<hbm>> -> memref<1x10240xf32, #tpu.memory_space<hbm>>
        %dma_start3A_87 = tpu.memref_squeeze %dma_start3A_86 : memref<1x10240xf32, #tpu.memory_space<hbm>> -> memref<10240xf32, #tpu.memory_space<hbm>>
        %dma_start3A_88 = arith.constant 0 : i32
        %dma_start3A_89 = tpu.memref_slice %arg4[%arg1, %dma_start3A_88] : memref<16x10240xf32, #tpu.memory_space<hbm>> -> memref<1x10240xf32, #tpu.memory_space<hbm>>
        %dma_start3A_90 = tpu.memref_squeeze %dma_start3A_89 : memref<1x10240xf32, #tpu.memory_space<hbm>> -> memref<10240xf32, #tpu.memory_space<hbm>>
        tpu.enqueue_dma source(%arg10 : memref<10240xf32, #tpu.memory_space<vmem>>) target(%dma_start3A_90 : memref<10240xf32, #tpu.memory_space<hbm>>) target_semaphore(%run_scoped3A : memref<!tpu.dma_semaphore, #tpu.memory_space<semaphore_mem>>)
        %dma_wait3A_91 = arith.constant 0 : i32
        %dma_wait3A_92 = tpu.memref_slice %arg4[%arg1, %dma_wait3A_91] : memref<16x10240xf32, #tpu.memory_space<hbm>> -> memref<1x10240xf32, #tpu.memory_space<hbm>>
        %dma_wait3A_93 = tpu.memref_squeeze %dma_wait3A_92 : memref<1x10240xf32, #tpu.memory_space<hbm>> -> memref<10240xf32, #tpu.memory_space<hbm>>
        %dma_wait3A_94 = arith.constant 0 : i32
        %dma_wait3A_95 = tpu.memref_slice %arg4[%arg1, %dma_wait3A_94] : memref<16x10240xf32, #tpu.memory_space<hbm>> -> memref<1x10240xf32, #tpu.memory_space<hbm>>
        %dma_wait3A_96 = tpu.memref_squeeze %dma_wait3A_95 : memref<1x10240xf32, #tpu.memory_space<hbm>> -> memref<10240xf32, #tpu.memory_space<hbm>>
        tpu.wait_dma2 semaphore(%run_scoped3A : memref<!tpu.dma_semaphore, #tpu.memory_space<semaphore_mem>>) src(%arg10 : memref<10240xf32, #tpu.memory_space<vmem>>) dst(%dma_wait3A_96 : memref<10240xf32, #tpu.memory_space<hbm>>)
        tpu.yield
      }) : () -> ()
    } else {
    }
    return
  }
}

module attributes {stable_mosaic.version = 14 : i64} {
  func.func @_tc_body(%arg0: memref<16x10240xf32, #tpu.memory_space<vmem>>, %arg1: memref<1x10240xf32, #tpu.memory_space<vmem>>, %arg2: memref<1x10240xf32, #tpu.memory_space<vmem>>, %arg3: memref<16x16xf32, #tpu.memory_space<vmem>>, %arg4: memref<10000x128xf32, #tpu.memory_space<vmem>>, %arg5: memref<128x16xf32, #tpu.memory_space<vmem>>, %arg6: memref<1x16xf32, #tpu.memory_space<vmem>>) attributes {dimension_semantics = [], scalar_prefetch = 0 : i64, scratch_operands = 0 : i64, tpu.core_type = #tpu.core_type<tc>} {
    %get3A = arith.constant 0 : index
    %get3A_0 = arith.constant 0 : index
    %get3A_1 = vector.load %arg0[%get3A, %get3A_0] : memref<16x10240xf32, #tpu.memory_space<vmem>>, vector<16x10240xf32>
    %reduce_sum3A = arith.constant dense<0.000000e+00> : vector<10240xf32>
    %reduce_sum3A_2 = vector.multi_reduction <add>, %get3A_1, %reduce_sum3A [0] : vector<16x10240xf32> to vector<10240xf32>
    %broadcast_in_dim3A = vector.shape_cast %reduce_sum3A_2 : vector<10240xf32> to vector<1x10240xf32>
    %get3A_3 = arith.constant 0 : index
    %get3A_4 = arith.constant 0 : index
    %get3A_5 = vector.load %arg2[%get3A_3, %get3A_4] : memref<1x10240xf32, #tpu.memory_space<vmem>>, vector<1x10240xf32>
    %get3A_6 = arith.constant 0 : index
    %get3A_7 = arith.constant 0 : index
    %get3A_8 = vector.load %arg1[%get3A_6, %get3A_7] : memref<1x10240xf32, #tpu.memory_space<vmem>>, vector<1x10240xf32>
    %add3A = arith.addf %broadcast_in_dim3A, %get3A_8 : vector<1x10240xf32>
    %mul3A = arith.mulf %get3A_5, %add3A : vector<1x10240xf32>
    %slice3A = vector.extract_strided_slice %mul3A {offsets = [0, 0], sizes = [1, 9984], strides = [1, 1]} : vector<1x10240xf32> to vector<1x9984xf32>
    %get3A_9 = arith.constant 0 : index
    %get3A_10 = arith.constant 0 : index
    %get3A_11 = vector.load %arg4[%get3A_9, %get3A_10] : memref<10000x128xf32, #tpu.memory_space<vmem>>, vector<9984x128xf32>
    %dot_general3A = arith.constant dense<0.000000e+00> : vector<1x128xf32>
    %dot_general3A_12 = tpu.matmul %slice3A, %get3A_11, %dot_general3A {dimension_numbers = #tpu.dot_dimension_numbers<[1], [0], [0], [1], [0, 0, 1, 1], [], []>, transpose_lhs_hint = false} : vector<1x9984xf32>, vector<9984x128xf32>, vector<1x128xf32> -> vector<1x128xf32>
    %slice3A_13 = vector.extract_strided_slice %mul3A {offsets = [0, 9984], sizes = [1, 16], strides = [1, 1]} : vector<1x10240xf32> to vector<1x16xf32>
    %get3A_14 = arith.constant 9984 : index
    %get3A_15 = arith.constant 0 : index
    %get3A_16 = vector.load %arg4[%get3A_14, %get3A_15] : memref<10000x128xf32, #tpu.memory_space<vmem>>, vector<16x128xf32>
    %dot_general3A_17 = arith.constant dense<0.000000e+00> : vector<1x128xf32>
    %dot_general3A_18 = tpu.matmul %slice3A_13, %get3A_16, %dot_general3A_17 {dimension_numbers = #tpu.dot_dimension_numbers<[1], [0], [0], [1], [0, 0, 1, 1], [], []>, transpose_lhs_hint = false} : vector<1x16xf32>, vector<16x128xf32>, vector<1x128xf32> -> vector<1x128xf32>
    %add3A_19 = arith.addf %dot_general3A_12, %dot_general3A_18 : vector<1x128xf32>
    %get3A_20 = arith.constant 0 : index
    %get3A_21 = arith.constant 0 : index
    %get3A_22 = vector.load %arg5[%get3A_20, %get3A_21] : memref<128x16xf32, #tpu.memory_space<vmem>>, vector<128x16xf32>
    %dot_general3A_23 = arith.constant dense<0.000000e+00> : vector<1x16xf32>
    %dot_general3A_24 = tpu.matmul %add3A_19, %get3A_22, %dot_general3A_23 {dimension_numbers = #tpu.dot_dimension_numbers<[1], [0], [0], [1], [0, 0, 1, 1], [], []>, transpose_lhs_hint = false} : vector<1x128xf32>, vector<128x16xf32>, vector<1x16xf32> -> vector<1x16xf32>
    %get3A_25 = arith.constant 0 : index
    %get3A_26 = arith.constant 0 : index
    %get3A_27 = vector.load %arg3[%get3A_25, %get3A_26] : memref<16x16xf32, #tpu.memory_space<vmem>>, vector<16x16xf32>
    %reduce_sum3A_28 = vector.shape_cast %get3A_27 : vector<16x16xf32> to vector<1x16x16xf32>
    %reduce_sum3A_29 = arith.constant dense<0.000000e+00> : vector<1xf32>
    %reduce_sum3A_30 = vector.multi_reduction <add>, %reduce_sum3A_28, %reduce_sum3A_29 [1, 2] : vector<1x16x16xf32> to vector<1xf32>
    %reduce_sum3A_31 = vector.shape_cast %reduce_sum3A_30 : vector<1xf32> to vector<1x1x1xf32>
    %reduce_sum3A_32 = vector.extract %reduce_sum3A_31[0, 0, 0] : f32 from vector<1x1x1xf32>
    %mul3A_33 = vector.broadcast %reduce_sum3A_32 : f32 to vector<1x16xf32>
    %mul3A_34 = arith.mulf %dot_general3A_24, %mul3A_33 : vector<1x16xf32>
    %swap3A = arith.constant 0 : index
    %swap3A_35 = arith.constant 0 : index
    %swap3A_36 = vector.load %arg6[%swap3A, %swap3A_35] : memref<1x16xf32, #tpu.memory_space<vmem>>, vector<1x16xf32>
    tpu.vector_store %arg6[%swap3A, %swap3A_35], %mul3A_34 {strides = array<i32>} : memref<1x16xf32, #tpu.memory_space<vmem>>, vector<1x16xf32>,
    return
  }
}

</mosaic_0001>

<sc_bundles>
// kernel: kernel.4.cloned.1.call-start
scs
__scs_entry_jumppad:
0x0: {  	(pc) =	sbr.rel $0x88, $3  }
0x1: {  	(tag) =	ssettag $0x0;
	lr =	simm.s32 $0x1  }
0x2: {  	[smem:$0x3F9D] =	sst lr;
	_ =	strace $0xD0000000  }
0x3: {  	_ = 	snop  }
0x4: {  	_ = 	snop  }
0x5: {  	_ = 	snop  }
0x6: {  	_ = 	snop  }
0x7: {  	_ = 	snop  }
__scs_overlays_trampoline_lowered:
0x8: {  	[smem:$0x3FAC] =	sst s0  }
0x9: {  	[smem:$0x3FAD] =	sst s1  }
0xa: {  	[smem:$0x3FAE] =	sst s2  }
0xb: {  	[smem:$0x3FAF] =	sst s3  }
0xc: {  	[smem:$0x3FB0] =	sst s4  }
0xd: {  	[smem:$0x3FB1] =	sst s5  }
0xe: {  	[smem:$0x3FB2] =	sst s6  }
0xf: {  	[smem:$0x3FB3] =	sst s7  }
0x10: {  	[smem:$0x3FB4] =	sst s8  }
0x11: {  	[smem:$0x3FB5] =	sst s9;
	s0 =	simm.s32 @!p0 $0x0  }
0x12: {  	s1 =	sld [smem:$0x3F9B];
	s0 =	simm.s32 @p0 $0x1  }
0x13: {  	[smem:$0x3FB6] =	sst s0;
	s0 =	simm.s32 @!p1 $0x0  }
0x14: {  	s2 =	sld [smem:$0x3F9A];
	s0 =	simm.s32 @p1 $0x1  }
0x15: {  	[smem:$0x3FB7] =	sst s0;
	s0 =	simm.s32 @!p2 $0x0  }
0x16: {  	s3 =	sld [smem:$0x3FDB];
	s0 =	simm.s32 @p2 $0x1  }
0x17: {  	s4 =	simm.s32 $0x1BF5;
	[smem:$0x3FB9] =	sst s0  }
0x18: {  	s0 =	sld [smem:$0x3F9C];
	_ =	swait.ge [sflag:s4], $0x0  }
0x19: {  	s7 =	sld [smem:$0x3F9D]  }
0x1a: {  	s8 =	sadd.s32 $0xFFFFE003, lr  }
0x1b: {  	s9 =	sadd.s32 $0xFFFFFEF7, lr;
	s5 =	simm.s32 $0xFFFFFFFF;
	p2 =	slt.u32 s8, $0xFFFFF086  }
0x1c: {  	p1 =	slt.u32 s9, $0xF7A;
	s5 =	simm.s32 @!p2 $0x0  }
0x1d: {  	s5 =	simm.s32 @p1 $0x1;
	p0 =	seq.s32 s7, s2  }
0x1e: {  	s7 =	smul.u32 @!p0 $0xF7A, s2;
	p2 =	seq.s32 @!p0 s5, $0x0  }
0x1f: {  	s9 =	smul.u32 $0xF7A, s1;
	s8 =	simm.s32 @!p0 $0x1BF5;
	p2 =	por !p2, p0  }
0x20: {  	[sflag:s8] =	ssyncset.s32 @!p0 $0xFFFFF086;
	s6 =	sadd.s32 @!p0 s3, s7;
	s7 =	simm.s32 @!p0 $0x108  }
0x21: {  	s3 =	sadd.s32 s3, s9;
	s6 =	sadd.s32 @!p0 $0x88, s6;
	s7 =	simm.s32 @p2 $0x1082  }
0x22: {  	[simem:s7], [sflag:s8] =	dma.local @!p0 [hbm:s6], $0xF7A  }
0x23: {  	s9 =	sor.u32 $0xD0000000, s2;
	s6 =	simm.s32 $0x108;
	_ =	swait.ge @!p0 [sflag:s8], $0x0  }
0x24: {  	s3 =	sadd.s32 $0x88, s3;
	s6 =	simm.s32 @!p1 $0x1082;
	[sflag:s4] =	ssyncset.s32 $0xFFFFF086  }
0x25: {  	[simem:s6], [sflag:s4] =	dma.local [hbm:s3], $0xF7A  }
0x26: {  	[smem:$0x3F9D] =	sst s1;
	(tag) =	ssettag s2;
	_ =	strace s9  }
0x27: {  	s1 =	sld [smem:$0x3FAD]  }
0x28: {  	s2 =	sld [smem:$0x3FAE]  }
0x29: {  	s4 =	sld [smem:$0x3FB0]  }
0x2a: {  	p0 =	seq.s32 s5, $0x0;
	s5 =	sld [smem:$0x3FB1]  }
0x2b: {  	s6 =	sld [smem:$0x3FB2]  }
0x2c: {  	s7 =	sld [smem:$0x3FB3]  }
0x2d: {  	s3 =	simm.s32 $0x108;
	s8 =	sld [smem:$0x3FB4]  }
0x2e: {  	s3 =	simm.s32 @!p0 $0x1082;
	s9 =	sld [smem:$0x3FB5]  }
0x2f: {  	lr =	sadd.s32 s0, s3;
	s0 =	sld [smem:$0x3FAC]  }
0x30: {  	s3 =	sld [smem:$0x3FAF]  }
0x31: {  	[smem:$0x3FB8] =	sst s10  }
0x32: {  	s10 =	sld [smem:$0x3FB6];
	_ =	sdelay $0x3  }
0x33: {  	p0 =	seq.s32 s10, $0x1;
	s10 =	sld [smem:$0x3FB8];
	_ =	sdelay $0x3  }
0x34: {  	[smem:$0x3FB8] =	sst s10  }
0x35: {  	s10 =	sld [smem:$0x3FB7];
	_ =	sdelay $0x3  }
0x36: {  	p1 =	seq.s32 s10, $0x1;
	s10 =	sld [smem:$0x3FB8];
	_ =	sdelay $0x3  }
0x37: {  	[smem:$0x3FB8] =	sst s10  }
0x38: {  	s10 =	sld [smem:$0x3FB9]  }
0x39: {  	_ = 	snop;
	(pc) =	sbr.ind lr, $3  }
0x3a: {  	_ = 	snop  }
0x3b: {  	_ = 	snop  }
0x3c: {  	p2 =	seq.s32 s10, $0x1;
	s10 =	sld [smem:$0x3FB8]  }
0x3d: {  	_ =	shalt  }
0x3e: {  	_ =	shalt  }
0x3f: {  	_ =	shalt  }
0x40: {  	_ =	shalt  }
0x41: {  	_ =	shalt  }
0x42: {  	_ =	shalt  }
0x43: {  	_ =	shalt  }
0x44: {  	_ =	shalt  }
0x45: {  	_ =	shalt  }
0x46: {  	_ =	shalt  }
0x47: {  	_ =	shalt  }
0x48: {  	_ =	shalt  }
0x49: {  	_ =	shalt  }
0x4a: {  	_ =	shalt  }
0x4b: {  	_ =	shalt  }
0x4c: {  	_ =	shalt  }
0x4d: {  	_ =	shalt  }
0x4e: {  	_ =	shalt  }
0x4f: {  	_ =	shalt  }
0x50: {  	_ =	shalt  }
0x51: {  	_ =	shalt  }
0x52: {  	_ =	shalt  }
0x53: {  	_ =	shalt  }
0x54: {  	_ =	shalt  }
0x55: {  	_ =	shalt  }
0x56: {  	_ =	shalt  }
0x57: {  	_ =	shalt  }
0x58: {  	_ =	shalt  }
0x59: {  	_ =	shalt  }
0x5a: {  	_ =	shalt  }
0x5b: {  	_ =	shalt  }
0x5c: {  	_ =	shalt  }
0x5d: {  	_ =	shalt  }
0x5e: {  	_ =	shalt  }
0x5f: {  	_ =	shalt  }
0x60: {  	_ =	shalt  }
0x61: {  	_ =	shalt  }
0x62: {  	_ =	shalt  }
0x63: {  	_ =	shalt  }
0x64: {  	_ =	shalt  }
0x65: {  	_ =	shalt  }
0x66: {  	_ =	shalt  }
0x67: {  	_ =	shalt  }
0x68: {  	_ =	shalt  }
0x69: {  	_ =	shalt  }
0x6a: {  	_ =	shalt  }
0x6b: {  	_ =	shalt  }
0x6c: {  	_ =	shalt  }
0x6d: {  	_ =	shalt  }
0x6e: {  	_ =	shalt  }
0x6f: {  	_ =	shalt  }
0x70: {  	_ =	shalt  }
0x71: {  	_ =	shalt  }
0x72: {  	_ =	shalt  }
0x73: {  	_ =	shalt  }
0x74: {  	_ =	shalt  }
0x75: {  	_ =	shalt  }
0x76: {  	_ =	shalt  }
0x77: {  	_ =	shalt  }
0x78: {  	_ =	shalt  }
0x79: {  	_ =	shalt  }
0x7a: {  	_ =	shalt  }
0x7b: {  	_ =	shalt  }
0x7c: {  	_ =	shalt  }
0x7d: {  	_ =	shalt  }
0x7e: {  	_ =	shalt  }
0x7f: {  	_ =	shalt  }
0x80: {  	_ =	shalt  }
0x81: {  	_ =	shalt  }
0x82: {  	_ =	shalt  }
0x83: {  	_ =	shalt  }
0x84: {  	_ =	shalt  }
0x85: {  	_ =	shalt  }
0x86: {  	_ =	shalt  }
0x87: {  	_ =	shalt  }
.Lfunc_end0:
.L_simem_size_0:
called_computation_lowered:
.L_overlay_start_0:
0x88: {  	s2 =	sld [smem:$0x3FD9]  }
0x89: {  	s3 =	sld [smem:$0x3FFE];
	_ =	sdelay $0x1  }
0x8a: {  	s1 =	srdreg.scid  }
0x8b: {  	s0 =	sand.u32 $0x1, s1  }
0x8c: {  	s17 =	sshll.u32 s0, $0xA;
	s2 =	sadd.s32 s3, s2  }
0x8d: {  	s2 =	sadd.s32 s2, s17  }
0x8e: {  	[smem:$0x3FC4] =	sst s2  }
0x8f: {  	_ = 	snop  }
0x90: {  	s2 =	sld [smem:$0x3FD0];
	(tm) =	ssettm $0x1  }
0x91: {  	s18 =	sld [smem:$0x3FFB];
	_ =	sdelay $0x3  }
0x92: {  	_ =	strace s18  }
0x93: {  	s3 =	sld [smem:$0x3FFC];
	_ =	sdelay $0x3  }
0x94: {  	_ =	strace s3  }
0x95: {  	s3 =	sld [smem:$0x3FFD];
	_ =	sdelay $0x3  }
0x96: {  	_ =	strace s3  }
0x97: {  	_ =	strace $0x8FFFFFFF  }
0x98: {  	s19 =	sld [smem:$0x3FDB];
	_ =	sdelay $0x1  }
0x99: {  	s4 =	simm.s32 $_scs_section_size  }
0x9a: {  	s5 =	simm.s32 $_size__tile_overlayer_lowered;
	s6 =	simm.s32 $_tile_overlayer_lowered  }
0x9b: {  	s22 =	simm.s32 $0x1BFF;
	s21 =	sshll.u32 s6, $0x1;
	s3 =	sadd.s32 s4, s19  }
0x9c: {  	s7 =	simm.s32 $0x0;
	s20 =	sshll.u32 s5, $0x1;
	s5 =	sadd.s32 s21, s3  }
0x9d: {  	[timem:s7], [sflag:s22] =	dma.local [hbm:s5], s20  }
0x9e: {  	_ =	swait.ge [sflag:s22], s20  }
0x9f: {  	s4 =	ssub.s32 $0x0, s20;
	[sflag:s22] =	ssyncset.done $0x0  }
0xa0: {  	[sflag:s22] =	ssyncadd.s32 s4;
	_ =	sdelay $0x1  }
0xa1: {  	s23 =	simm.s32 $0x1B8B  }
0xa2: {  	_ =	swait.ge [sflag:s23], $0x1  }
0xa3: {  	[sflag:s23] =	ssyncset.done $0x0  }
0xa4: {  	s25 =	simm.s32 $0x1B8E;
	s24 =	sld [smem:$0x3FFE];
	[sflag:s23] =	ssyncadd.s32 $0xFFFFFFFF  }
0xa5: {  	s26 =	simm.s32 $execute0_lowered;
	[smem:$0x3FD2] =	sst s25  }
0xa6: {  	s5 =	sshll.u32 s26, $0x1;
	_ =	strace $0x80000046;
	[dreg:$0x1] =	wrdreg $0xFFFFFFFF  }
0xa7: {  	s28 =	simm.s32 $_size_execute0_lowered;
	s3 =	sadd.s32 s3, s5;
	[dreg:$0x0] =	wrdreg $0x0  }
0xa8: {  	s5 =	sshll.u32 s28, $0x1;
	[dreg:$0x2] =	wrdreg s3  }
0xa9: {  	[dreg:$0x3] =	wrdreg s5  }
0xaa: {  	[dreg:$0x4] =	wrdreg $0xC0  }
0xab: {  	_ =	task [dreg:s7], $0x5FFFF  }
0xac: {  	[dreg:$0x1] =	wrdreg $0xFFFFFFFF  }
0xad: {  	[dreg:$0x0] =	wrdreg $0x60  }
0xae: {  	[dreg:$0x2] =	wrdreg s24  }
0xaf: {  	[dreg:$0x3] =	wrdreg s2  }
0xb0: {  	[dreg:$0x4] =	wrdreg $0x193000  }
0xb1: {  	[dreg:$0x5] =	wrdreg $0x1BB000  }
0xb2: {  	[dreg:$0x6] =	wrdreg $0x9  }
0xb3: {  	_ =	task.clear_ibuf [dreg:s7], $0x7FFFF;
	_ =	strace $0x90000046  }
0xb4: {  	s29 =	simm.s32 $0x9;
	_ =	strace $0x80000048  }
0xb5: {  	_ =	swait.ge [sflag:s29], $0x1  }
0xb6: {  	[sflag:s29] =	ssyncadd.s32 $0xFFFFFFFF  }
0xb7: {  	_ =	strace $0x90000048  }
0xb8: {  	_ =	sfence  }
0xb9: {  	s30 =	sld [smem:$0x0];
	_ =	sdelay $0x2  }
0xba: {  	s31 =	sshll.u32 s1, $0xD;
	s1 =	sshrl.u32 s1, $0x2  }
0xbb: {  	s3 =	sand.u32 $0x4000, s31;
	s1 =	sadd.s32 s1, s30  }
0xbc: {  	s0 =	sor.u32 s3, s0;
	s1 =	sshll.u32 s1, $0x11  }
0xbd: {  	s0 =	sor.u32 s1, s0  }
0xbe: {  	s0 =	sadd.s32 $0x8F2B, s0  }
0xbf: {  	[sflag:s0] =	ssyncadd.remote.s32 $0x1  }
0xc0: {  	_ =	sfence.sel $0xFFFF  }
0xc1: {  	[dreg:$0x0] =	wrdreg $0xFFFFFFFF;
	(pc) =	sbr.abs _section_cstart, $3  }
0xc2: {  	[dreg:$0x1] =	wrdreg $0xFFFFFFFF  }
0xc3: {  	_ =	task.clear_ibuf [dreg:s7], $0x2FFFF;
	_ =	strace $0x9FFFFFFF  }
0xc4: {  	(tm) =	ssettm $0x7FFFFFFF  }
0xc5: {  	_ =	shalt  }
tec
execute0_lowered:
.L_overlay_start_1:
0x0: {  	(tag) =	ssettag $0x1  }
0x1: {  	s1 =	srdreg.scid  }
0x2: {  	s1 =	sand.u32 $0x1, s1  }
0x3: {  	s6 =	rddreg [dreg:$0x0];
	p0 =	seq.s32 s1, $0x1  }
.Ltmp0:
0x4: {  	s13 =	rddreg [dreg:$0x1];
	(pc) =	sbr.rel @p0 .LBB2_12-.Ltmp0, $4  }
0x5: {  	s2 =	rddreg [dreg:$0x2]  }
0x6: {  	s5 =	rddreg [dreg:$0x3];
	s7 =	simm.s32 $0x0  }
0x7: {  	[smem:$0x7FF] =	sst s7  }
0x8: {  	s0 =	rddreg [dreg:$0x4];
	_ =	strace $0x80000047;
	s1 =	stileid.u32  }
0x9: {  	s11 =	smul.u32 $0x4E20, s1  }
0xa: {  	s8 =	sshrl.u32 s1, $0x3;
	s17 =	smul.u32 $0x1400, s1  }
0xb: {  	s4 =	sshll.u32 s1, $0x7;
	s12 =	sadd.s32 $0x1A00, s6;
	s3 =	smul.u32 $0x14000, s8  }
0xc: {  	s30 =	simm.s32 $0xA000;
	s9 =	sand.u32 $0x380, s4;
	s4 =	smul.u32 $0x280, s1  }
0xd: {  	s31 =	simm.s32 $0xEE80;
	s8 =	sshll.u32 s8, $0xA;
	s11 =	sshrl.u32 s11, $0x3  }
0xe: {  	s8 =	sor.u32 s9, s8;
	s10 =	sor.u32 s9, s3;
	s15 =	sshrl.u32 s4, $0x3  }
0xf: {  	s12 =	sadd.s32 s12, s11;
	s8 =	sshrl.u32 s8, $0x3;
	s9 =	sadd.s32 s17, s2  }
0x10: {  	s3 =	sshrl.u32 s10, $0x3;
	s29 =	sadd.s32 $0x9C40, s12;
	s16 =	sadd.s32 s15, s6  }
0x11: {  	s18 =	sadd.s32 s8, s6;
	s11 =	sadd.s32 s10, s2;
	s10 =	sadd.s32 s10, s5  }
0x12: {  	s8 =	sadd.s32 s17, s5;
	s14 =	sadd.s32 s3, s6;
	s3 =	sadd.s32 $0x1A400, s6  }
0x13: {  	[tilespmem:s30], [sflag:$0x1] =	stream.linear.gather [hbm4b:s29+s7], $0x4E20, $0x38;
	[tilespmem:$0x1E300] =	vst v63  }
0x14: {  	s6 =	sadd.s32 $0x1AA00, s16;
	s5 =	sadd.s32 $0x1B000, s18;
	s2 =	sadd.s32 $0x15400, s14  }
0x15: {  	[tilespmem:s31], [sflag:$0x2] =	stream.linear.gather [hbm4b:s12+s7], $0x4E20, $0x38;
	[tilespmem:$0x1E300] =	vst v63  }
0x16: {  	v0 =	vimm.f32 $0.0e+00;
	s14 =	simm.s32 $0x0;
	s7 =	sadd.s32 s3, s15;
	s12 =	simm.s32 $0x40  }
.LBB2_2:
0x17: {  	p0 =	sne.s32 s12, $0x9FC0;
	[tilespmem:s14+$0x5000] =	vst v0;
	s15 =	smov.u32 s12;
	s12 =	sadd.s32 $0x40, s12  }
.Ltmp1:
0x18: {  	[tilespmem:s14+$0x0] =	vst v0;
	(pc) =	sbr.rel @p0 .LBB2_2-.Ltmp1, $2  }
0x19: {  	[tilespmem:s14+$0x2800] =	vst v0;
	_ =	sdelay $0x2  }
0x1a: {  	s14 =	sshra.s32 s15, $0x2  }
0x1b: {  	[tilespmem:s14+$0x5000] =	vst v0  }
0x1c: {  	[tilespmem:s14+$0x0] =	vst v0  }
0x1d: {  	[tilespmem:s14+$0x2800] =	vst v0;
	s12 =	simm.s32 $0x0;
	s28 =	simm.s32 $0x19200;
	s29 =	simm.s32 $0x3  }
0x1e: {  	[tilespmem:s28], [sflag:$0x3] =	stream.linear.gather [hbm4b:s13+s12], $0x80, $0x38;
	[tilespmem:$0x1E300] =	vst v63  }
0x1f: {  	_ =	swait.ge [sflag:s29], $0x80  }
0x20: {  	[sflag:s29] =	ssyncset.done $0x0  }
0x21: {  	s30 =	simm.s32 $0x1;
	[sflag:s29] =	ssyncadd.s32 $0xFFFFFF80  }
0x22: {  	v0 =	vld [tilespmem:$0x19200];
	_ =	swait.ge [sflag:s30], $0x4E20  }
0x23: {  	[sflag:s30] =	ssyncset.done $0x0  }
0x24: {  	s31 =	simm.s32 $0x2;
	[sflag:s30] =	ssyncadd.s32 $0xFFFFB1E0  }
0x25: {  	_ =	swait.ge [sflag:s31], $0x4E20  }
0x26: {  	s13 =	simm.s32 $0x0;
	[sflag:s31] =	ssyncset.done $0x0  }
0x27: {  	s15 =	sand.u32 $0x7FE0, s13;
	[sflag:s31] =	ssyncadd.s32 $0xFFFFB1E0  }
0x28: {  	s14 =	simm.s32 $0xEED0;
	v7 =	vld [tilespmem:s15+$0xA080]  }
0x29: {  	v1 =	vld [tilespmem:s14+$0xFFFFFFD0]  }
0x2a: {  	v3 =	vld [tilespmem:s14+$0xFFFFFFB0]  }
0x2b: {  	v8 =	vld [tilespmem:s15+$0xEF00]  }
0x2c: {  	v4 =	vld [tilespmem:s14+$0xFFFFFFC0]  }
0x2d: {  	v5 =	vld [tilespmem:s14+$0xFFFFFFE0]  }
0x2e: {  	v6 =	vld [tilespmem:s14+$0xFFFFFFF0]  }
0x2f: {  	s16 =	simm.s32 $0xA050;
	v9 =	vld [tilespmem:s14+$0x40]  }
0x30: {  	v10 =	vld [tilespmem:s16+$0xFFFFFFE0];
	vm0 =	veq.s32 v7, v0  }
0x31: {  	v11 =	vld [tilespmem:s14+$0x20]  }
0x32: {  	v12 =	vld [tilespmem:s16+$0x20]  }
0x33: {  	v13 =	vld [tilespmem:s14+$0x0]  }
0x34: {  	v2 =	vimm.f32 $1.000000000e+00;
	v15 =	vld [tilespmem:s16+$0x10]  }
0x35: {  	s15 =	simm.s32 $0x2800;
	[tilespmem:v7+s12+$0x0] =	vst.idx.add.f32.msk $0xffff, v2  }
0x36: {  	[tilespmem:v8+s15+$0x0] =	vst.idx.add.f32.msk vm0, v2  }
0x37: {  	v8 =	vld [tilespmem:s16+$0x40]  }
0x38: {  	v14 =	vld [tilespmem:s14+$0x10]  }
0x39: {  	v16 =	vld [tilespmem:s16+$0x0]  }
0x3a: {  	v17 =	vld [tilespmem:s16+$0xFFFFFFF0]  }
0x3b: {  	v18 =	vld [tilespmem:s16+$0xFFFFFFC0]  }
0x3c: {  	v7 =	vld [tilespmem:s16+$0xFFFFFFB0]  }
0x3d: {  	[tilespmem:v12+s12+$0x0] =	vst.idx.add.f32.msk $0xffff, v2;
	vm0 =	veq.s32 v8, v0  }
0x3e: {  	[tilespmem:v15+s12+$0x0] =	vst.idx.add.f32.msk $0xffff, v2  }
0x3f: {  	vm1 =	veq.s32 v12, v0;
	[tilespmem:v8+s12+$0x0] =	vst.idx.add.f32.msk $0xffff, v2  }
0x40: {  	v8 =	vld [tilespmem:s16+$0xFFFFFFD0]  }
0x41: {  	vm3 =	veq.s32 v16, v0;
	[tilespmem:v16+s12+$0x0] =	vst.idx.add.f32.msk $0xffff, v2  }
0x42: {  	[tilespmem:v17+s12+$0x0] =	vst.idx.add.f32.msk $0xffff, v2  }
0x43: {  	[tilespmem:v9+s15+$0x0] =	vst.idx.add.f32.msk vm0, v2;
	vm0 =	veq.s32 v15, v0  }
0x44: {  	[tilespmem:v10+s12+$0x0] =	vst.idx.add.f32.msk $0xffff, v2  }
0x45: {  	[tilespmem:v11+s15+$0x0] =	vst.idx.add.f32.msk vm1, v2;
	vm1 =	veq.s32 v17, v0  }
0x46: {  	vm2 =	veq.s32 v10, v0;
	[tilespmem:v18+s12+$0x0] =	vst.idx.add.f32.msk $0xffff, v2  }
0x47: {  	[tilespmem:v13+s15+$0x0] =	vst.idx.add.f32.msk vm3, v2;
	vm3 =	veq.s32 v18, v0  }
0x48: {  	vm4 =	veq.s32 v7, v0;
	[tilespmem:v8+s12+$0x0] =	vst.idx.add.f32.msk $0xffff, v2  }
0x49: {  	[tilespmem:v14+s15+$0x0] =	vst.idx.add.f32.msk vm0, v2;
	vm0 =	veq.s32 v8, v0  }
.LBB2_4:
0x4a: {  	s13 =	sadd.s32 $0xA0, s13;
	[tilespmem:v7+s12+$0x0] =	vst.idx.add.f32.msk $0xffff, v2;
	s16 =	sadd.s32 $0xA0, s16;
	s14 =	sadd.s32 $0xA0, s14  }
0x4b: {  	s17 =	sand.u32 $0x7FE0, s13;
	p0 =	slt.u32 s13, $0x4D80;
	[tilespmem:v6+s15+$0x0] =	vst.idx.add.f32.msk vm1, v2  }
0x4c: {  	[tilespmem:v5+s15+$0x0] =	vst.idx.add.f32.msk vm2, v2  }
0x4d: {  	[tilespmem:v4+s15+$0x0] =	vst.idx.add.f32.msk vm3, v2  }
0x4e: {  	[tilespmem:v3+s15+$0x0] =	vst.idx.add.f32.msk vm4, v2  }
0x4f: {  	[tilespmem:v1+s15+$0x0] =	vst.idx.add.f32.msk vm0, v2  }
0x50: {  	v7 =	vld [tilespmem:s17+$0xA080]  }
0x51: {  	v1 =	vld [tilespmem:s14+$0xFFFFFFD0]  }
0x52: {  	v3 =	vld [tilespmem:s14+$0xFFFFFFB0]  }
0x53: {  	v8 =	vld [tilespmem:s17+$0xEF00]  }
0x54: {  	v4 =	vld [tilespmem:s14+$0xFFFFFFC0]  }
0x55: {  	v5 =	vld [tilespmem:s14+$0xFFFFFFE0];
	vm0 =	veq.s32 v7, v0  }
0x56: {  	v6 =	vld [tilespmem:s14+$0xFFFFFFF0]  }
0x57: {  	v9 =	vld [tilespmem:s14+$0x40]  }
0x58: {  	[tilespmem:v7+s12+$0x0] =	vst.idx.add.f32.msk $0xffff, v2  }
0x59: {  	v7 =	vld [tilespmem:s16+$0xFFFFFFB0]  }
0x5a: {  	v10 =	vld [tilespmem:s16+$0xFFFFFFE0]  }
0x5b: {  	[tilespmem:v8+s15+$0x0] =	vst.idx.add.f32.msk vm0, v2  }
0x5c: {  	v8 =	vld [tilespmem:s16+$0x40]  }
0x5d: {  	v11 =	vld [tilespmem:s14+$0x20]  }
0x5e: {  	v12 =	vld [tilespmem:s16+$0x20]  }
0x5f: {  	v13 =	vld [tilespmem:s14+$0x0]  }
0x60: {  	v14 =	vld [tilespmem:s14+$0x10]  }
0x61: {  	v15 =	vld [tilespmem:s16+$0x10];
	vm0 =	veq.s32 v8, v0  }
0x62: {  	v16 =	vld [tilespmem:s16+$0x0]  }
0x63: {  	v17 =	vld [tilespmem:s16+$0xFFFFFFF0];
	vm5 =	veq.s32 v12, v0  }
0x64: {  	[tilespmem:v8+s12+$0x0] =	vst.idx.add.f32.msk $0xffff, v2  }
0x65: {  	v8 =	vld [tilespmem:s16+$0xFFFFFFD0]  }
0x66: {  	v18 =	vld [tilespmem:s16+$0xFFFFFFC0];
	vm6 =	veq.s32 v15, v0  }
0x67: {  	vm7 =	veq.s32 v16, v0;
	[tilespmem:v9+s15+$0x0] =	vst.idx.add.f32.msk vm0, v2  }
0x68: {  	vm1 =	veq.s32 v17, v0;
	[tilespmem:v12+s12+$0x0] =	vst.idx.add.f32.msk $0xffff, v2  }
0x69: {  	[tilespmem:v15+s12+$0x0] =	vst.idx.add.f32.msk $0xffff, v2  }
0x6a: {  	vm2 =	veq.s32 v10, v0;
	vm0 =	veq.s32 v8, v0;
	[tilespmem:v16+s12+$0x0] =	vst.idx.add.f32.msk $0xffff, v2  }
0x6b: {  	vm3 =	veq.s32 v18, v0;
	[tilespmem:v17+s12+$0x0] =	vst.idx.add.f32.msk $0xffff, v2  }
0x6c: {  	vm4 =	veq.s32 v7, v0;
	[tilespmem:v11+s15+$0x0] =	vst.idx.add.f32.msk vm5, v2  }
.Ltmp2:
0x6d: {  	[tilespmem:v10+s12+$0x0] =	vst.idx.add.f32.msk $0xffff, v2;
	(pc) =	sbr.rel @p0 .LBB2_4-.Ltmp2, $4  }
0x6e: {  	[tilespmem:v14+s15+$0x0] =	vst.idx.add.f32.msk vm6, v2  }
0x6f: {  	[tilespmem:v8+s12+$0x0] =	vst.idx.add.f32.msk $0xffff, v2  }
0x70: {  	[tilespmem:v13+s15+$0x0] =	vst.idx.add.f32.msk vm7, v2  }
0x71: {  	[tilespmem:v18+s12+$0x0] =	vst.idx.add.f32.msk $0xffff, v2  }
0x72: {  	_ =	sdelay $0x3  }
0x73: {  	[tilespmem:v7+s12+$0x0] =	vst.idx.add.f32.msk $0xffff, v2  }
0x74: {  	[tilespmem:v6+s15+$0x0] =	vst.idx.add.f32.msk vm1, v2  }
0x75: {  	[tilespmem:v5+s15+$0x0] =	vst.idx.add.f32.msk vm2, v2  }
0x76: {  	[tilespmem:v4+s15+$0x0] =	vst.idx.add.f32.msk vm3, v2  }
0x77: {  	[tilespmem:v1+s15+$0x0] =	vst.idx.add.f32.msk vm0, v2  }
0x78: {  	s18 =	simm.s32 $0x80;
	s13 =	simm.s32 $0x400;
	s14 =	simm.s32 $0x0;
	[tilespmem:v3+s15+$0x0] =	vst.idx.add.f32.msk vm4, v2  }
0x79: {  	[spmem:s11] =	stream.strided.scatter [tilespmem:s14], [sflag:$0x1], $0x2800, s13, s18, $0x38;
	[tilespmem:$0x1E300] =	vst v63  }
0x7a: {  	s19 =	simm.s32 $0x2800;
	s20 =	simm.s32 $0x1  }
0x7b: {  	[spmem:s10] =	stream.strided.scatter [tilespmem:s19], [sflag:$0x2], $0x2800, s13, s18, $0x38;
	[tilespmem:$0x1E300] =	vst v63  }
0x7c: {  	_ =	swait.ge [sflag:s20], $0x2800  }
0x7d: {  	[sflag:s20] =	ssyncset.done $0x0  }
0x7e: {  	s21 =	simm.s32 $0x2;
	[sflag:s20] =	ssyncadd.s32 $0xFFFFD800  }
0x7f: {  	_ =	swait.ge [sflag:s21], $0x2800  }
0x80: {  	[sflag:s21] =	ssyncset.done $0x0  }
0x81: {  	s22 =	simm.s32 $0x1400;
	[sflag:s21] =	ssyncadd.s32 $0xFFFFD800  }
0x82: {  	s23 =	simm.s32 $0x14000;
	s24 =	simm.s32 $0x13D00;
	[bflag:$0x0] =	sbarrier.arrive $0xFFFF  }
0x83: {  	[tilespmem:s24], [sflag:$0x1] =	stream.strided.gather [spmem:s9], $0x2800, s23, s22, $0x38;
	[tilespmem:$0x1E300] =	vst v63  }
0x84: {  	s25 =	simm.s32 $0x16500  }
0x85: {  	[tilespmem:s25], [sflag:$0x2] =	stream.strided.gather [spmem:s8], $0x2800, s23, s22, $0x38;
	[tilespmem:$0x1E300] =	vst v63  }
0x86: {  	s26 =	sand.u32 $0x70, s14;
	s28 =	sand.u32 $0x1C00, s14;
	_ =	swait.ge [sflag:s20], $0x2800  }
0x87: {  	s8 =	sor.u32 s26, s28;
	[sflag:s20] =	ssyncset.done $0x0  }
0x88: {  	s9 =	sadd.s32 $0x13D00, s8;
	[sflag:s20] =	ssyncadd.s32 $0xFFFFD800  }
0x89: {  	v1 =	vld [tilespmem:s9+$0x80]  }
0x8a: {  	v2 =	vld [tilespmem:s8+$0x13D00];
	_ =	sdelay $0x1  }
0x8b: {  	v3 =	vld [tilespmem:s9+$0x100];
	_ =	sdelay $0x1  }
0x8c: {  	v59 =	vld [tilespmem:s9+$0x180]  }
0x8d: {  	v1 =	vadd.f32 v1, v2  }
0x8e: {  	v2 =	vld [tilespmem:s9+$0x200]  }
0x8f: {  	v1 =	vadd.f32 v3, v1  }
0x90: {  	v3 =	vld [tilespmem:s9+$0x280]  }
0x91: {  	v1 =	vadd.f32 v59, v1  }
0x92: {  	v60 =	vld [tilespmem:s9+$0x300]  }
0x93: {  	v1 =	vadd.f32 v2, v1  }
0x94: {  	v2 =	vld [tilespmem:s9+$0x380]  }
0x95: {  	v1 =	vadd.f32 v3, v1  }
0x96: {  	v3 =	vld [tilespmem:s8+$0x15100]  }
0x97: {  	v1 =	vadd.f32 v60, v1  }
0x98: {  	v61 =	vld [tilespmem:s8+$0x15180]  }
0x99: {  	v1 =	vadd.f32 v2, v1  }
0x9a: {  	v2 =	vld [tilespmem:s8+$0x15200]  }
0x9b: {  	v1 =	vadd.f32 v3, v1  }
0x9c: {  	v3 =	vld [tilespmem:s8+$0x15280]  }
0x9d: {  	v1 =	vadd.f32 v61, v1  }
0x9e: {  	v62 =	vld [tilespmem:s8+$0x15300]  }
0x9f: {  	v1 =	vadd.f32 v2, v1  }
0xa0: {  	v2 =	vld [tilespmem:s8+$0x15380]  }
0xa1: {  	v1 =	vadd.f32 v3, v1  }
0xa2: {  	v3 =	vld [tilespmem:s8+$0x15400]  }
0xa3: {  	v1 =	vadd.f32 v62, v1  }
0xa4: {  	v63 =	vld [tilespmem:s8+$0x15480]  }
0xa5: {  	v1 =	vadd.f32 v2, v1;
	_ =	sdelay $0x1  }
0xa6: {  	v1 =	vadd.f32 v3, v1;
	_ =	sdelay $0x1  }
0xa7: {  	v1 =	vadd.f32 v63, v1;
	_ =	sdelay $0x1  }
0xa8: {  	v1 =	vadd.f32 $1.000000000e+00, v1;
	_ =	sdelay $0x1  }
0xa9: {  	v2 =	vshra.s32 v1, $0x1;
	v1 =	vmul.f32 $5.000000000e-01, v1  }
0xaa: {  	v2 =	vsub.s32 $0x5F3759DF, v2  }
0xab: {  	v3 =	vmul.f32 v2, v1;
	_ =	sdelay $0x1  }
0xac: {  	v3 =	vmul.f32 v2, v3;
	_ =	sdelay $0x1  }
0xad: {  	v3 =	vsub.f32 $1.500000000e+00, v3;
	_ =	sdelay $0x1  }
0xae: {  	v2 =	vmul.f32 v2, v3;
	_ =	sdelay $0x1  }
0xaf: {  	v3 =	vmul.f32 v2, v1;
	_ =	sdelay $0x1  }
0xb0: {  	v3 =	vmul.f32 v3, v2;
	_ =	sdelay $0x1  }
0xb1: {  	v3 =	vsub.f32 $1.500000000e+00, v3;
	_ =	sdelay $0x1  }
0xb2: {  	v2 =	vmul.f32 v3, v2;
	_ =	sdelay $0x1  }
0xb3: {  	v1 =	vmul.f32 v2, v1;
	_ =	sdelay $0x1  }
0xb4: {  	v1 =	vmul.f32 v1, v2;
	_ =	sdelay $0x1  }
0xb5: {  	v1 =	vsub.f32 $1.500000000e+00, v1  }
0xb6: {  	s29 =	simm.s32 $0x10;
	s9 =	simm.s32 $0x80  }
0xb7: {  	s30 =	sand.u32 $0x70, s29;
	s31 =	sand.u32 $0x1C00, s9;
	v1 =	vmul.f32 v1, v2  }
0xb8: {  	s10 =	simm.s32 $0x20;
	s11 =	sor.u32 s30, s31;
	s8 =	simm.s32 $0x18F80  }
.LBB2_6:
0xb9: {  	p0 =	sne.s32 s10, $0x270;
	s12 =	sadd.s32 $0x13D00, s11;
	[tilespmem:s8+$0x0] =	vst v1  }
0xba: {  	v1 =	vld [tilespmem:s12+$0x80]  }
0xbb: {  	v2 =	vld [tilespmem:s11+$0x13D00];
	_ =	sdelay $0x1  }
0xbc: {  	v3 =	vld [tilespmem:s12+$0x100];
	_ =	sdelay $0x1  }
0xbd: {  	v4 =	vld [tilespmem:s12+$0x180]  }
0xbe: {  	v1 =	vadd.f32 v1, v2  }
0xbf: {  	v2 =	vld [tilespmem:s12+$0x200]  }
0xc0: {  	v1 =	vadd.f32 v3, v1  }
0xc1: {  	v3 =	vld [tilespmem:s12+$0x280]  }
0xc2: {  	v1 =	vadd.f32 v4, v1  }
0xc3: {  	v4 =	vld [tilespmem:s12+$0x300]  }
0xc4: {  	v1 =	vadd.f32 v2, v1  }
0xc5: {  	v2 =	vld [tilespmem:s12+$0x380]  }
0xc6: {  	v1 =	vadd.f32 v3, v1  }
0xc7: {  	v3 =	vld [tilespmem:s11+$0x15100]  }
0xc8: {  	v1 =	vadd.f32 v4, v1  }
0xc9: {  	v4 =	vld [tilespmem:s11+$0x15180]  }
0xca: {  	v1 =	vadd.f32 v2, v1  }
0xcb: {  	v2 =	vld [tilespmem:s11+$0x15200]  }
0xcc: {  	v1 =	vadd.f32 v3, v1  }
0xcd: {  	v3 =	vld [tilespmem:s11+$0x15280]  }
0xce: {  	v1 =	vadd.f32 v4, v1  }
0xcf: {  	v4 =	vld [tilespmem:s11+$0x15300]  }
0xd0: {  	v1 =	vadd.f32 v2, v1  }
0xd1: {  	v2 =	vld [tilespmem:s11+$0x15380]  }
0xd2: {  	v1 =	vadd.f32 v3, v1  }
0xd3: {  	v3 =	vld [tilespmem:s11+$0x15400]  }
0xd4: {  	v1 =	vadd.f32 v4, v1  }
0xd5: {  	v4 =	vld [tilespmem:s11+$0x15480]  }
0xd6: {  	v1 =	vadd.f32 v2, v1;
	_ =	sdelay $0x1  }
0xd7: {  	v1 =	vadd.f32 v3, v1;
	_ =	sdelay $0x1  }
0xd8: {  	v1 =	vadd.f32 v4, v1;
	_ =	sdelay $0x1  }
0xd9: {  	v1 =	vadd.f32 $1.000000000e+00, v1;
	_ =	sdelay $0x1  }
0xda: {  	v2 =	vshra.s32 v1, $0x1;
	v1 =	vmul.f32 $5.000000000e-01, v1  }
0xdb: {  	v2 =	vsub.s32 $0x5F3759DF, v2  }
0xdc: {  	v3 =	vmul.f32 v2, v1;
	_ =	sdelay $0x1  }
0xdd: {  	v3 =	vmul.f32 v2, v3;
	_ =	sdelay $0x1  }
0xde: {  	v3 =	vsub.f32 $1.500000000e+00, v3;
	_ =	sdelay $0x1  }
0xdf: {  	v2 =	vmul.f32 v2, v3;
	_ =	sdelay $0x1  }
0xe0: {  	v3 =	vmul.f32 v2, v1;
	_ =	sdelay $0x1  }
0xe1: {  	v3 =	vmul.f32 v3, v2;
	_ =	sdelay $0x1  }
0xe2: {  	v3 =	vsub.f32 $1.500000000e+00, v3;
	_ =	sdelay $0x1  }
0xe3: {  	v2 =	vmul.f32 v3, v2;
	_ =	sdelay $0x1  }
0xe4: {  	v1 =	vmul.f32 v2, v1;
	_ =	sdelay $0x1  }
0xe5: {  	v1 =	vmul.f32 v1, v2  }
.Ltmp3:
0xe6: {  	(pc) =	sbr.rel @p0 .LBB2_6-.Ltmp3, $4  }
0xe7: {  	v1 =	vsub.f32 $1.500000000e+00, v1  }
0xe8: {  	s9 =	sadd.s32 $0x80, s9  }
0xe9: {  	s12 =	sand.u32 $0x1C00, s9;
	s11 =	sand.u32 $0x70, s10;
	v1 =	vmul.f32 v1, v2  }
0xea: {  	s8 =	sadd.s32 $0x10, s8;
	s10 =	sadd.s32 $0x10, s10;
	s11 =	sor.u32 s11, s12  }
0xeb: {  	s9 =	sadd.s32 $0x13D00, s11;
	[tilespmem:s8+$0x0] =	vst v1  }
0xec: {  	v1 =	vld [tilespmem:s9+$0x80]  }
0xed: {  	v2 =	vld [tilespmem:s11+$0x13D00];
	_ =	sdelay $0x1  }
0xee: {  	v3 =	vld [tilespmem:s9+$0x100];
	_ =	sdelay $0x1  }
0xef: {  	v4 =	vld [tilespmem:s9+$0x180]  }
0xf0: {  	v1 =	vadd.f32 v1, v2  }
0xf1: {  	v2 =	vld [tilespmem:s9+$0x200]  }
0xf2: {  	v1 =	vadd.f32 v3, v1  }
0xf3: {  	v3 =	vld [tilespmem:s9+$0x280]  }
0xf4: {  	v1 =	vadd.f32 v4, v1  }
0xf5: {  	v4 =	vld [tilespmem:s9+$0x300]  }
0xf6: {  	v1 =	vadd.f32 v2, v1  }
0xf7: {  	v2 =	vld [tilespmem:s9+$0x380]  }
0xf8: {  	v1 =	vadd.f32 v3, v1  }
0xf9: {  	v3 =	vld [tilespmem:s11+$0x15100]  }
0xfa: {  	v1 =	vadd.f32 v4, v1  }
0xfb: {  	v4 =	vld [tilespmem:s11+$0x15180]  }
0xfc: {  	v1 =	vadd.f32 v2, v1  }
0xfd: {  	v2 =	vld [tilespmem:s11+$0x15200]  }
0xfe: {  	v1 =	vadd.f32 v3, v1  }
0xff: {  	v3 =	vld [tilespmem:s11+$0x15280]  }
0x100: {  	v1 =	vadd.f32 v4, v1  }
0x101: {  	v4 =	vld [tilespmem:s11+$0x15300]  }
0x102: {  	v1 =	vadd.f32 v2, v1  }
0x103: {  	v2 =	vld [tilespmem:s11+$0x15380]  }
0x104: {  	v1 =	vadd.f32 v3, v1  }
0x105: {  	v3 =	vld [tilespmem:s11+$0x15400]  }
0x106: {  	v1 =	vadd.f32 v4, v1  }
0x107: {  	v4 =	vld [tilespmem:s11+$0x15480]  }
0x108: {  	v1 =	vadd.f32 v2, v1;
	_ =	sdelay $0x1  }
0x109: {  	v1 =	vadd.f32 v3, v1;
	_ =	sdelay $0x1  }
0x10a: {  	v1 =	vadd.f32 v4, v1;
	_ =	sdelay $0x1  }
0x10b: {  	v1 =	vadd.f32 $1.000000000e+00, v1;
	_ =	sdelay $0x1  }
0x10c: {  	v2 =	vshra.s32 v1, $0x1;
	v1 =	vmul.f32 $5.000000000e-01, v1  }
0x10d: {  	v2 =	vsub.s32 $0x5F3759DF, v2  }
0x10e: {  	v3 =	vmul.f32 v2, v1;
	_ =	sdelay $0x1  }
0x10f: {  	v3 =	vmul.f32 v2, v3;
	_ =	sdelay $0x1  }
0x110: {  	v3 =	vsub.f32 $1.500000000e+00, v3;
	_ =	sdelay $0x1  }
0x111: {  	v2 =	vmul.f32 v2, v3;
	_ =	sdelay $0x1  }
0x112: {  	v3 =	vmul.f32 v2, v1;
	_ =	sdelay $0x1  }
0x113: {  	v3 =	vmul.f32 v3, v2;
	_ =	sdelay $0x1  }
0x114: {  	v3 =	vsub.f32 $1.500000000e+00, v3;
	_ =	sdelay $0x1  }
0x115: {  	v2 =	vmul.f32 v3, v2;
	_ =	sdelay $0x1  }
0x116: {  	v1 =	vmul.f32 v2, v1;
	_ =	sdelay $0x1  }
0x117: {  	v1 =	vmul.f32 v1, v2;
	_ =	sdelay $0x1  }
0x118: {  	v1 =	vsub.f32 $1.500000000e+00, v1;
	_ =	sdelay $0x1  }
0x119: {  	v1 =	vmul.f32 v1, v2  }
0x11a: {  	s25 =	sadd.s32 $0x10, s8  }
0x11b: {  	s26 =	simm.s32 $0x2;
	[tilespmem:s25+$0x0] =	vst v1  }
0x11c: {  	_ =	swait.ge [sflag:s26], $0x2800  }
0x11d: {  	s28 =	simm.s32 $0x0;
	[sflag:s26] =	ssyncset.done $0x0  }
0x11e: {  	s29 =	sand.u32 $0x70, s28;
	s9 =	sand.u32 $0x1C00, s28;
	v1 =	vimm.f32 $0.0e+00;
	[sflag:s26] =	ssyncadd.s32 $0xFFFFD800  }
0x11f: {  	s8 =	sor.u32 s29, s9;
	[tilespmem:$0x19280] =	vst v1  }
0x120: {  	s9 =	sadd.s32 $0x16500, s8;
	v2 =	vld [tilespmem:s8+$0x16500]  }
0x121: {  	v3 =	vld [tilespmem:s9+$0x80];
	_ =	sdelay $0x1  }
0x122: {  	v4 =	vld [tilespmem:s9+$0x100];
	_ =	sdelay $0x1  }
0x123: {  	v5 =	vld [tilespmem:s9+$0x180]  }
0x124: {  	v2 =	vadd.f32 v3, v2  }
0x125: {  	v3 =	vld [tilespmem:s9+$0x200]  }
0x126: {  	v2 =	vadd.f32 v4, v2  }
0x127: {  	v4 =	vld [tilespmem:s9+$0x280]  }
0x128: {  	v2 =	vadd.f32 v5, v2  }
0x129: {  	v5 =	vld [tilespmem:s9+$0x300]  }
0x12a: {  	v2 =	vadd.f32 v3, v2  }
0x12b: {  	v3 =	vld [tilespmem:s9+$0x380]  }
0x12c: {  	v2 =	vadd.f32 v4, v2  }
0x12d: {  	v4 =	vld [tilespmem:s8+$0x17900]  }
0x12e: {  	v2 =	vadd.f32 v5, v2  }
0x12f: {  	v5 =	vld [tilespmem:s8+$0x17980]  }
0x130: {  	v2 =	vadd.f32 v3, v2  }
0x131: {  	v3 =	vld [tilespmem:s8+$0x17A00]  }
0x132: {  	v2 =	vadd.f32 v4, v2  }
0x133: {  	v4 =	vld [tilespmem:s8+$0x17A80]  }
0x134: {  	v2 =	vadd.f32 v5, v2  }
0x135: {  	v5 =	vld [tilespmem:s8+$0x17B00]  }
0x136: {  	v2 =	vadd.f32 v3, v2  }
0x137: {  	v3 =	vld [tilespmem:s8+$0x17B80]  }
0x138: {  	v2 =	vadd.f32 v4, v2  }
0x139: {  	v4 =	vld [tilespmem:s8+$0x17C00]  }
0x13a: {  	v2 =	vadd.f32 v5, v2  }
0x13b: {  	v5 =	vld [tilespmem:s8+$0x17C80]  }
0x13c: {  	s8 =	simm.s32 $0x18F80;
	v3 =	vadd.f32 v3, v2  }
0x13d: {  	v6 =	vld [tilespmem:s8+$0x0]  }
0x13e: {  	s30 =	sadd.s32 $0x0, s4;
	v2 =	vlaneseq.u32;
	v3 =	vadd.f32 v4, v3  }
0x13f: {  	v4 =	vor.u32 s30, v2  }
0x140: {  	vm0 =	veq.s32 v4, v0;
	v3 =	vadd.f32 v5, v3  }
0x141: {  	v4 =	vsel vm0, $0x3F800000, v1  }
0x142: {  	v5 =	vmul.f32 v6, v6;
	v3 =	vadd.f32 v3, v4;
	_ =	sdelay $0x1  }
0x143: {  	v3 =	vmul.f32 v3, v5  }
0x144: {  	s31 =	simm.s32 $0x18D00  }
0x145: {  	[tilespmem:s31+$0x0] =	vst v3  }
0x146: {  	v3 =	vld [tilespmem:$0x19280];
	_ =	sdelay $0x3  }
0x147: {  	s10 =	simm.s32 $0x10;
	s15 =	simm.s32 $0x20;
	s11 =	simm.s32 $0x80;
	v4 =	vnsel vm0, $0x0, v6  }
0x148: {  	s13 =	sand.u32 $0x70, s10;
	s14 =	sand.u32 $0x1C00, s11;
	s9 =	simm.s32 $0x18D10;
	v3 =	vadd.f32 v3, v4  }
.LBB2_8:
0x149: {  	s14 =	sor.u32 s13, s14  }
0x14a: {  	[tilespmem:$0x19280] =	vst v3;
	s8 =	sadd.s32 $0x10, s8;
	s13 =	smov.u32 s15;
	s12 =	sadd.s32 $0x10, s15  }
0x14b: {  	p0 =	sne.s32 s15, $0x270;
	s15 =	sadd.s32 $0x16500, s14;
	v3 =	vld [tilespmem:s14+$0x16500]  }
0x14c: {  	v4 =	vld [tilespmem:s15+$0x80];
	_ =	sdelay $0x1  }
0x14d: {  	v5 =	vld [tilespmem:s15+$0x100];
	_ =	sdelay $0x1  }
0x14e: {  	v6 =	vld [tilespmem:s15+$0x180]  }
0x14f: {  	v3 =	vadd.f32 v4, v3  }
0x150: {  	v4 =	vld [tilespmem:s15+$0x200]  }
0x151: {  	v3 =	vadd.f32 v5, v3  }
0x152: {  	v5 =	vld [tilespmem:s15+$0x280]  }
0x153: {  	v3 =	vadd.f32 v6, v3  }
0x154: {  	v6 =	vld [tilespmem:s15+$0x300]  }
0x155: {  	v3 =	vadd.f32 v4, v3  }
0x156: {  	v4 =	vld [tilespmem:s15+$0x380]  }
0x157: {  	v3 =	vadd.f32 v5, v3  }
0x158: {  	v5 =	vld [tilespmem:s14+$0x17900]  }
0x159: {  	v3 =	vadd.f32 v6, v3  }
0x15a: {  	v6 =	vld [tilespmem:s14+$0x17980]  }
0x15b: {  	v3 =	vadd.f32 v4, v3  }
0x15c: {  	v4 =	vld [tilespmem:s14+$0x17A00]  }
0x15d: {  	v3 =	vadd.f32 v5, v3  }
0x15e: {  	v5 =	vld [tilespmem:s14+$0x17A80]  }
0x15f: {  	v3 =	vadd.f32 v6, v3  }
0x160: {  	v6 =	vld [tilespmem:s14+$0x17B00]  }
0x161: {  	v3 =	vadd.f32 v4, v3  }
0x162: {  	v4 =	vld [tilespmem:s14+$0x17B80]  }
0x163: {  	v3 =	vadd.f32 v5, v3  }
0x164: {  	v5 =	vld [tilespmem:s14+$0x17C00]  }
0x165: {  	v3 =	vadd.f32 v6, v3  }
0x166: {  	v6 =	vld [tilespmem:s14+$0x17C80]  }
0x167: {  	v3 =	vadd.f32 v4, v3  }
0x168: {  	v4 =	vld [tilespmem:s8+$0x0]  }
0x169: {  	s14 =	sadd.s32 s10, s4;
	s10 =	smov.u32 s13;
	v3 =	vadd.f32 v5, v3  }
0x16a: {  	v5 =	vor.u32 s14, v2  }
0x16b: {  	vm0 =	veq.s32 v5, v0;
	v3 =	vadd.f32 v6, v3  }
0x16c: {  	v5 =	vsel vm0, $0x3F800000, v1  }
0x16d: {  	v6 =	vmul.f32 v4, v4;
	v3 =	vadd.f32 v3, v5;
	v4 =	vnsel vm0, $0x0, v4;
	_ =	sdelay $0x1  }
0x16e: {  	v3 =	vmul.f32 v3, v6;
	_ =	sdelay $0x1  }
0x16f: {  	[tilespmem:s9+$0x0] =	vst v3  }
0x170: {  	v3 =	vld [tilespmem:$0x19280];
	_ =	sdelay $0x1  }
.Ltmp4:
0x171: {  	(pc) =	sbr.rel @p0 .LBB2_8-.Ltmp4, $3  }
0x172: {  	_ =	sdelay $0x1  }
0x173: {  	s11 =	sadd.s32 $0x80, s11;
	s15 =	smov.u32 s12;
	v3 =	vadd.f32 v3, v4  }
0x174: {  	s13 =	sand.u32 $0x70, s10;
	s14 =	sand.u32 $0x1C00, s11;
	s9 =	sadd.s32 $0x10, s9  }
0x175: {  	s11 =	sor.u32 s13, s14;
	[tilespmem:$0x19280] =	vst v3  }
0x176: {  	s12 =	sadd.s32 $0x16500, s11;
	v3 =	vld [tilespmem:s11+$0x16500]  }
0x177: {  	v4 =	vld [tilespmem:s12+$0x80];
	_ =	sdelay $0x1  }
0x178: {  	v5 =	vld [tilespmem:s12+$0x100];
	_ =	sdelay $0x1  }
0x179: {  	v6 =	vld [tilespmem:s12+$0x180]  }
0x17a: {  	v3 =	vadd.f32 v4, v3  }
0x17b: {  	v4 =	vld [tilespmem:s12+$0x200]  }
0x17c: {  	v3 =	vadd.f32 v5, v3  }
0x17d: {  	v5 =	vld [tilespmem:s12+$0x280]  }
0x17e: {  	v3 =	vadd.f32 v6, v3  }
0x17f: {  	v6 =	vld [tilespmem:s12+$0x300]  }
0x180: {  	v3 =	vadd.f32 v4, v3  }
0x181: {  	v4 =	vld [tilespmem:s12+$0x380]  }
0x182: {  	v3 =	vadd.f32 v5, v3  }
0x183: {  	v5 =	vld [tilespmem:s11+$0x17900]  }
0x184: {  	v3 =	vadd.f32 v6, v3  }
0x185: {  	v6 =	vld [tilespmem:s11+$0x17980]  }
0x186: {  	v3 =	vadd.f32 v4, v3  }
0x187: {  	v4 =	vld [tilespmem:s11+$0x17A00]  }
0x188: {  	v3 =	vadd.f32 v5, v3  }
0x189: {  	v5 =	vld [tilespmem:s11+$0x17A80]  }
0x18a: {  	v3 =	vadd.f32 v6, v3  }
0x18b: {  	v6 =	vld [tilespmem:s11+$0x17B00]  }
0x18c: {  	v3 =	vadd.f32 v4, v3  }
0x18d: {  	v4 =	vld [tilespmem:s11+$0x17B80]  }
0x18e: {  	v3 =	vadd.f32 v5, v3  }
0x18f: {  	v5 =	vld [tilespmem:s11+$0x17C00]  }
0x190: {  	v3 =	vadd.f32 v6, v3  }
0x191: {  	v6 =	vld [tilespmem:s11+$0x17C80]  }
0x192: {  	s8 =	sadd.s32 $0x10, s8;
	v3 =	vadd.f32 v4, v3  }
0x193: {  	v4 =	vld [tilespmem:s8+$0x0]  }
0x194: {  	s4 =	sadd.s32 s10, s4;
	v3 =	vadd.f32 v5, v3  }
0x195: {  	v2 =	vor.u32 s4, v2  }
0x196: {  	vm0 =	veq.s32 v2, v0;
	v3 =	vadd.f32 v6, v3  }
0x197: {  	v0 =	vsel vm0, $0x3F800000, v1  }
0x198: {  	v1 =	vmul.f32 v4, v4;
	v0 =	vadd.f32 v3, v0;
	_ =	sdelay $0x1  }
0x199: {  	v0 =	vmul.f32 v0, v1;
	_ =	sdelay $0x1  }
0x19a: {  	[tilespmem:s9+$0x0] =	vst v0  }
0x19b: {  	v0 =	vld [tilespmem:$0x19280];
	_ =	sdelay $0x3  }
0x19c: {  	v1 =	vnsel vm0, $0x0, v4  }
0x19d: {  	v0 =	vadd.f32 v0, v1;
	_ =	sdelay $0x1  }
0x19e: {  	s21 =	simm.s32 $0x0;
	s22 =	simm.s32 $0x18D00;
	[tilespmem:$0x19280] =	vst v0  }
0x19f: {  	[hbm4b:s7+s21] =	stream.linear.scatter [tilespmem:s22], [sflag:$0x1], $0x280, $0x38;
	[tilespmem:$0x1E300] =	vst v63  }
0x1a0: {  	s23 =	simm.s32 $0x18F80  }
0x1a1: {  	[hbm4b:s6+s21] =	stream.linear.scatter [tilespmem:s23], [sflag:$0x2], $0x280, $0x38;
	[tilespmem:$0x1E300] =	vst v63  }
0x1a2: {  	s24 =	simm.s32 $0x19280;
	s25 =	simm.s32 $0x3  }
0x1a3: {  	[hbm4b:s5+s21] =	stream.linear.scatter [tilespmem:s24], [sflag:$0x3], $0x80, $0x38;
	[tilespmem:$0x1E300] =	vst v63  }
0x1a4: {  	_ =	swait.ge [sflag:s25], $0x80  }
0x1a5: {  	[sflag:s25] =	ssyncset.done $0x0  }
0x1a6: {  	s26 =	simm.s32 $0x1;
	[sflag:s25] =	ssyncadd.s32 $0xFFFFFF80  }
0x1a7: {  	_ =	swait.ge [sflag:s26], $0x280  }
0x1a8: {  	[sflag:s26] =	ssyncset.done $0x0  }
0x1a9: {  	s28 =	simm.s32 $0x2;
	[sflag:s26] =	ssyncadd.s32 $0xFFFFFD80  }
0x1aa: {  	_ =	swait.ge [sflag:s28], $0x280  }
0x1ab: {  	[sflag:s28] =	ssyncset.done $0x0  }
0x1ac: {  	[sflag:s28] =	ssyncadd.s32 $0xFFFFFD80  }
0x1ad: {  	s4 =	simm.s32 $0x7800;
	[bflag:$0x0] =	sbarrier.arrive $0xFFFF  }
0x1ae: {  	[tilespmem:s4], [sflag:$0x3] =	stream.linear.gather [hbm4b:s3+s21], $0x2800, $0x38;
	[tilespmem:$0x1E300] =	vst v63  }
0x1af: {  	_ =	swait.ge [sflag:s25], $0x2800  }
0x1b0: {  	s29 =	simm.s32 $0x0;
	[sflag:s25] =	ssyncset.done $0x0  }
0x1b1: {  	s30 =	simm.s32 $0xA0;
	s3 =	sand.u32 $0x7FE0, s29;
	[sflag:s25] =	ssyncadd.s32 $0xFFFFD800  }
0x1b2: {  	s31 =	sand.u32 $0x7FE0, s30;
	v0 =	vld [tilespmem:s3+$0xA080]  }
0x1b3: {  	s6 =	simm.s32 $0x140;
	v2 =	vld [tilespmem:s31+$0xA080]  }
0x1b4: {  	s5 =	sand.u32 $0x7FE0, s6;
	v3 =	vld [tilespmem:s3+$0xEF00]  }
0x1b5: {  	s7 =	simm.s32 $0xA050;
	v1 =	vld [tilespmem:s5+$0xA080]  }
0x1b6: {  	v5 =	vld [tilespmem:s7+$0xFFFFFFC0]  }
0x1b7: {  	v6 =	vld [tilespmem:s7+$0xFFFFFFD0]  }
0x1b8: {  	v7 =	vld [tilespmem:s7+$0xFFFFFFE0]  }
0x1b9: {  	s8 =	simm.s32 $0xEED0;
	v8 =	vld [tilespmem:s7+$0xFFFFFFF0]  }
0x1ba: {  	v9 =	vld [tilespmem:s8+$0x40]  }
0x1bb: {  	v10 =	vld [tilespmem:s7+$0x0]  }
0x1bc: {  	v11 =	vld [tilespmem:s7+$0x10]  }
0x1bd: {  	v12 =	vld [tilespmem:s7+$0x20]  }
0x1be: {  	v62 =	vld [tilespmem:s8+$0xFFFFFFB0]  }
0x1bf: {  	v63 =	vld [tilespmem:s8+$0xFFFFFFC0]  }
0x1c0: {  	v14 =	vld [tilespmem:s8+$0xFFFFFFD0]  }
0x1c1: {  	v15 =	vld [tilespmem:s8+$0xFFFFFFE0]  }
0x1c2: {  	v16 =	vld [tilespmem:s8+$0xFFFFFFF0]  }
0x1c3: {  	v17 =	vld [tilespmem:s8+$0x0]  }
0x1c4: {  	v4 =	vld.idx.msk [tilespmem:v0+s4+$0x0], $0xffff  }
0x1c5: {  	v18 =	vld [tilespmem:s8+$0x10]  }
0x1c6: {  	v0 =	vld [tilespmem:s31+$0xEF00]  }
0x1c7: {  	v2 =	vld.idx.msk [tilespmem:v2+s4+$0x0], $0xffff  }
0x1c8: {  	s3 =	simm.s32 $0x5000;
	v5 =	vld.idx.msk [tilespmem:v5+s4+$0x0], $0xffff  }
0x1c9: {  	[tilespmem:v3+s3+$0x0] =	vst.idx.add.f32.msk $0xffff, v4  }
0x1ca: {  	v3 =	vld [tilespmem:s7+$0x40]  }
0x1cb: {  	v6 =	vld.idx.msk [tilespmem:v6+s4+$0x0], $0xffff  }
0x1cc: {  	v4 =	vld [tilespmem:s7+$0xFFFFFFB0]  }
0x1cd: {  	v7 =	vld.idx.msk [tilespmem:v7+s4+$0x0], $0xffff  }
0x1ce: {  	v8 =	vld.idx.msk [tilespmem:v8+s4+$0x0], $0xffff  }
0x1cf: {  	v60 =	vld.idx.msk [tilespmem:v10+s4+$0x0], $0xffff  }
0x1d0: {  	v61 =	vld.idx.msk [tilespmem:v11+s4+$0x0], $0xffff  }
0x1d1: {  	[tilespmem:v63+s3+$0x0] =	vst.idx.add.f32.msk $0xffff, v5  }
0x1d2: {  	v3 =	vld.idx.msk [tilespmem:v3+s4+$0x0], $0xffff  }
0x1d3: {  	[tilespmem:v14+s3+$0x0] =	vst.idx.add.f32.msk $0xffff, v6  }
0x1d4: {  	v13 =	vld.idx.msk [tilespmem:v4+s4+$0x0], $0xffff  }
0x1d5: {  	v4 =	vld [tilespmem:s8+$0x20]  }
0x1d6: {  	[tilespmem:v15+s3+$0x0] =	vst.idx.add.f32.msk $0xffff, v7  }
0x1d7: {  	[tilespmem:v9+s3+$0x0] =	vst.idx.add.f32.msk $0xffff, v3  }
0x1d8: {  	v3 =	vld.idx.msk [tilespmem:v12+s4+$0x0], $0xffff  }
0x1d9: {  	[tilespmem:v16+s3+$0x0] =	vst.idx.add.f32.msk $0xffff, v8  }
0x1da: {  	[tilespmem:v17+s3+$0x0] =	vst.idx.add.f32.msk $0xffff, v60  }
0x1db: {  	[tilespmem:v18+s3+$0x0] =	vst.idx.add.f32.msk $0xffff, v61  }
0x1dc: {  	[tilespmem:v62+s3+$0x0] =	vst.idx.add.f32.msk $0xffff, v13  }
.LBB2_10:
0x1dd: {  	s6 =	sadd.s32 $0xA0, s6;
	[tilespmem:v4+s3+$0x0] =	vst.idx.add.f32.msk $0xffff, v3  }
0x1de: {  	v3 =	vld [tilespmem:s5+$0xEF00];
	s5 =	sand.u32 $0x7FE0, s6  }
0x1df: {  	v4 =	vld [tilespmem:s5+$0xA080]  }
0x1e0: {  	p0 =	slt.u32 s6, $0x4D80;
	v5 =	vld.idx.msk [tilespmem:v1+s4+$0x0], $0xffff  }
0x1e1: {  	s7 =	sadd.s32 $0xA0, s7;
	[tilespmem:v0+s3+$0x0] =	vst.idx.add.f32.msk $0xffff, v2  }
0x1e2: {  	v6 =	vld [tilespmem:s7+$0x40]  }
0x1e3: {  	v7 =	vld [tilespmem:s7+$0xFFFFFFB0];
	v0 =	vmov v3  }
0x1e4: {  	v3 =	vld [tilespmem:s7+$0xFFFFFFC0];
	v1 =	vmov v4  }
0x1e5: {  	v4 =	vld [tilespmem:s7+$0xFFFFFFD0]  }
0x1e6: {  	v2 =	vmov v5;
	v8 =	vld [tilespmem:s7+$0xFFFFFFE0]  }
0x1e7: {  	s8 =	sadd.s32 $0xA0, s8;
	v5 =	vld [tilespmem:s7+$0xFFFFFFF0]  }
0x1e8: {  	v9 =	vld [tilespmem:s8+$0x40]  }
0x1e9: {  	v10 =	vld [tilespmem:s7+$0x0]  }
0x1ea: {  	v6 =	vld.idx.msk [tilespmem:v6+s4+$0x0], $0xffff  }
0x1eb: {  	v11 =	vld [tilespmem:s7+$0x10]  }
0x1ec: {  	v12 =	vld [tilespmem:s7+$0x20]  }
0x1ed: {  	v7 =	vld.idx.msk [tilespmem:v7+s4+$0x0], $0xffff  }
0x1ee: {  	v13 =	vld.idx.msk [tilespmem:v3+s4+$0x0], $0xffff  }
0x1ef: {  	v14 =	vld.idx.msk [tilespmem:v4+s4+$0x0], $0xffff  }
0x1f0: {  	[tilespmem:v9+s3+$0x0] =	vst.idx.add.f32.msk $0xffff, v6  }
0x1f1: {  	v6 =	vld.idx.msk [tilespmem:v8+s4+$0x0], $0xffff  }
0x1f2: {  	v5 =	vld.idx.msk [tilespmem:v5+s4+$0x0], $0xffff  }
0x1f3: {  	v8 =	vld.idx.msk [tilespmem:v10+s4+$0x0], $0xffff  }
0x1f4: {  	v9 =	vld.idx.msk [tilespmem:v11+s4+$0x0], $0xffff  }
0x1f5: {  	v3 =	vld.idx.msk [tilespmem:v12+s4+$0x0], $0xffff  }
0x1f6: {  	v10 =	vld [tilespmem:s8+$0xFFFFFFB0]  }
0x1f7: {  	v11 =	vld [tilespmem:s8+$0xFFFFFFC0]  }
0x1f8: {  	v12 =	vld [tilespmem:s8+$0xFFFFFFD0]  }
0x1f9: {  	v15 =	vld [tilespmem:s8+$0xFFFFFFE0]  }
0x1fa: {  	v16 =	vld [tilespmem:s8+$0xFFFFFFF0]  }
0x1fb: {  	v17 =	vld [tilespmem:s8+$0x0]  }
0x1fc: {  	v18 =	vld [tilespmem:s8+$0x10]  }
0x1fd: {  	v4 =	vld [tilespmem:s8+$0x20]  }
0x1fe: {  	[tilespmem:v10+s3+$0x0] =	vst.idx.add.f32.msk $0xffff, v7  }
0x1ff: {  	[tilespmem:v11+s3+$0x0] =	vst.idx.add.f32.msk $0xffff, v13  }
.Ltmp5:
0x200: {  	[tilespmem:v12+s3+$0x0] =	vst.idx.add.f32.msk $0xffff, v14;
	(pc) =	sbr.rel @p0 .LBB2_10-.Ltmp5, $4  }
0x201: {  	[tilespmem:v15+s3+$0x0] =	vst.idx.add.f32.msk $0xffff, v6  }
0x202: {  	[tilespmem:v16+s3+$0x0] =	vst.idx.add.f32.msk $0xffff, v5  }
0x203: {  	[tilespmem:v17+s3+$0x0] =	vst.idx.add.f32.msk $0xffff, v8  }
0x204: {  	[tilespmem:v18+s3+$0x0] =	vst.idx.add.f32.msk $0xffff, v9  }
0x205: {  	_ =	sdelay $0x3  }
0x206: {  	[tilespmem:v4+s3+$0x0] =	vst.idx.add.f32.msk $0xffff, v3  }
0x207: {  	v30 =	vld [tilespmem:s5+$0xEF00]  }
0x208: {  	v1 =	vld.idx.msk [tilespmem:v1+s4+$0x0], $0xffff  }
0x209: {  	[tilespmem:v0+s3+$0x0] =	vst.idx.add.f32.msk $0xffff, v2;
	s26 =	sadd.s32 $0xA0, s7  }
0x20a: {  	v31 =	vld [tilespmem:s26+$0x40]  }
0x20b: {  	v32 =	vld [tilespmem:s26+$0xFFFFFFB0]  }
0x20c: {  	v33 =	vld [tilespmem:s26+$0xFFFFFFC0]  }
0x20d: {  	v5 =	vld [tilespmem:s26+$0xFFFFFFD0]  }
0x20e: {  	v6 =	vld [tilespmem:s26+$0xFFFFFFE0]  }
0x20f: {  	s6 =	sadd.s32 $0xA0, s8;
	v7 =	vld [tilespmem:s26+$0xFFFFFFF0]  }
0x210: {  	v8 =	vld [tilespmem:s6+$0x40]  }
0x211: {  	v9 =	vld [tilespmem:s26+$0x0]  }
0x212: {  	v10 =	vld [tilespmem:s26+$0x10]  }
0x213: {  	v11 =	vld [tilespmem:s26+$0x20]  }
0x214: {  	v39 =	vld [tilespmem:s6+$0xFFFFFFB0]  }
0x215: {  	v40 =	vld [tilespmem:s6+$0xFFFFFFC0]  }
0x216: {  	v12 =	vld [tilespmem:s6+$0xFFFFFFD0]  }
0x217: {  	v13 =	vld [tilespmem:s6+$0xFFFFFFE0]  }
0x218: {  	v14 =	vld [tilespmem:s6+$0xFFFFFFF0]  }
0x219: {  	v15 =	vld [tilespmem:s6+$0x0]  }
0x21a: {  	v16 =	vld [tilespmem:s6+$0x10]  }
0x21b: {  	v17 =	vld [tilespmem:s6+$0x20];
	s5 =	sadd.s32 $0xA0, s26  }
0x21c: {  	v41 =	vld [tilespmem:s5+$0x40]  }
0x21d: {  	v42 =	vld [tilespmem:s5+$0xFFFFFFB0]  }
0x21e: {  	v43 =	vld [tilespmem:s5+$0xFFFFFFC0]  }
0x21f: {  	v44 =	vld [tilespmem:s5+$0xFFFFFFD0]  }
0x220: {  	v45 =	vld [tilespmem:s5+$0xFFFFFFE0]  }
0x221: {  	s6 =	sadd.s32 $0xA0, s6;
	v46 =	vld [tilespmem:s5+$0xFFFFFFF0]  }
0x222: {  	v47 =	vld [tilespmem:s6+$0x40]  }
0x223: {  	v48 =	vld [tilespmem:s5+$0x0]  }
0x224: {  	v49 =	vld [tilespmem:s5+$0x10]  }
0x225: {  	v50 =	vld [tilespmem:s5+$0x20]  }
0x226: {  	v56 =	vld [tilespmem:s6+$0xFFFFFFB0]  }
0x227: {  	v57 =	vld [tilespmem:s6+$0xFFFFFFC0]  }
0x228: {  	v58 =	vld [tilespmem:s6+$0xFFFFFFD0]  }
0x229: {  	v59 =	vld [tilespmem:s6+$0xFFFFFFE0]  }
0x22a: {  	v60 =	vld [tilespmem:s6+$0xFFFFFFF0]  }
0x22b: {  	v61 =	vld [tilespmem:s6+$0x0]  }
0x22c: {  	v62 =	vld [tilespmem:s6+$0x10]  }
0x22d: {  	v63 =	vld [tilespmem:s6+$0x20]  }
0x22e: {  	[tilespmem:v30+s3+$0x0] =	vst.idx.add.f32.msk $0xffff, v1  }
0x22f: {  	v0 =	vld.idx.msk [tilespmem:v31+s4+$0x0], $0xffff  }
0x230: {  	v2 =	vld.idx.msk [tilespmem:v32+s4+$0x0], $0xffff  }
0x231: {  	v4 =	vld.idx.msk [tilespmem:v33+s4+$0x0], $0xffff  }
0x232: {  	v5 =	vld.idx.msk [tilespmem:v5+s4+$0x0], $0xffff  }
0x233: {  	v34 =	vld.idx.msk [tilespmem:v6+s4+$0x0], $0xffff  }
0x234: {  	v35 =	vld.idx.msk [tilespmem:v7+s4+$0x0], $0xffff  }
0x235: {  	v36 =	vld.idx.msk [tilespmem:v9+s4+$0x0], $0xffff  }
0x236: {  	v37 =	vld.idx.msk [tilespmem:v10+s4+$0x0], $0xffff  }
0x237: {  	v38 =	vld.idx.msk [tilespmem:v11+s4+$0x0], $0xffff  }
0x238: {  	v1 =	vld.idx.msk [tilespmem:v42+s4+$0x0], $0xffff  }
0x239: {  	v3 =	vld.idx.msk [tilespmem:v44+s4+$0x0], $0xffff  }
0x23a: {  	v51 =	vld.idx.msk [tilespmem:v45+s4+$0x0], $0xffff  }
0x23b: {  	v52 =	vld.idx.msk [tilespmem:v46+s4+$0x0], $0xffff  }
0x23c: {  	v53 =	vld.idx.msk [tilespmem:v48+s4+$0x0], $0xffff  }
0x23d: {  	v54 =	vld.idx.msk [tilespmem:v49+s4+$0x0], $0xffff  }
0x23e: {  	v55 =	vld.idx.msk [tilespmem:v50+s4+$0x0], $0xffff  }
0x23f: {  	[tilespmem:v8+s3+$0x0] =	vst.idx.add.f32.msk $0xffff, v0  }
0x240: {  	[tilespmem:v39+s3+$0x0] =	vst.idx.add.f32.msk $0xffff, v2  }
0x241: {  	[tilespmem:v40+s3+$0x0] =	vst.idx.add.f32.msk $0xffff, v4  }
0x242: {  	[tilespmem:v12+s3+$0x0] =	vst.idx.add.f32.msk $0xffff, v5  }
0x243: {  	[tilespmem:v13+s3+$0x0] =	vst.idx.add.f32.msk $0xffff, v34  }
0x244: {  	[tilespmem:v14+s3+$0x0] =	vst.idx.add.f32.msk $0xffff, v35  }
0x245: {  	[tilespmem:v15+s3+$0x0] =	vst.idx.add.f32.msk $0xffff, v36  }
0x246: {  	[tilespmem:v16+s3+$0x0] =	vst.idx.add.f32.msk $0xffff, v37  }
0x247: {  	[tilespmem:v17+s3+$0x0] =	vst.idx.add.f32.msk $0xffff, v38  }
0x248: {  	v0 =	vld.idx.msk [tilespmem:v41+s4+$0x0], $0xffff  }
0x249: {  	v2 =	vld.idx.msk [tilespmem:v43+s4+$0x0], $0xffff  }
0x24a: {  	[tilespmem:v56+s3+$0x0] =	vst.idx.add.f32.msk $0xffff, v1  }
0x24b: {  	[tilespmem:v58+s3+$0x0] =	vst.idx.add.f32.msk $0xffff, v3  }
0x24c: {  	[tilespmem:v59+s3+$0x0] =	vst.idx.add.f32.msk $0xffff, v51  }
0x24d: {  	[tilespmem:v60+s3+$0x0] =	vst.idx.add.f32.msk $0xffff, v52  }
0x24e: {  	[tilespmem:v61+s3+$0x0] =	vst.idx.add.f32.msk $0xffff, v53  }
0x24f: {  	[tilespmem:v62+s3+$0x0] =	vst.idx.add.f32.msk $0xffff, v54  }
0x250: {  	[tilespmem:v63+s3+$0x0] =	vst.idx.add.f32.msk $0xffff, v55  }
0x251: {  	s28 =	simm.s32 $0x80;
	[tilespmem:v47+s3+$0x0] =	vst.idx.add.f32.msk $0xffff, v0  }
0x252: {  	s29 =	simm.s32 $0x400;
	s30 =	simm.s32 $0x5000;
	s31 =	simm.s32 $0x3;
	[tilespmem:v57+s3+$0x0] =	vst.idx.add.f32.msk $0xffff, v2  }
0x253: {  	[hbm4b:s2+s28] =	stream.strided.scatter [tilespmem:s30], [sflag:$0x3], $0x2800, s29, s28, $0x38;
	[tilespmem:$0x1E300] =	vst v63  }
0x254: {  	_ =	swait.ge [sflag:s31], $0x2800  }
0x255: {  	[sflag:s31] =	ssyncset.done $0x0  }
0x256: {  	[sflag:s31] =	ssyncadd.s32 $0xFFFFD800  }
.LBB2_12:
0x257: {  	_ =	sfence.sel $0x180000  }
0x258: {  	[bflag:$0x0] =	sbarrier.arrive $0xFFFF  }
0x259: {  	p0 =	sne.s32 s1, $0x0;
	_ =	strace $0x90000047  }
0x25a: {  	s0 =	sadd.s32 @!p0 $0x100000, s0;
	[bflag:$0x2] =	sbarrier.arrive $0xFFFF  }
0x25b: {  	[sflag:s0] =	ssyncadd.tile.s32 @!p0 $0x1;
	_ =	shalt  }
.Lfunc_end2:
_tile_overlayer_lowered:
.L_overlay_start_2:
0x25c: {  	(tag) =	ssettag $0x2  }
0x25d: {  	s0 =	rddreg [dreg:$0x0];
	s2 =	stileid.u32  }
0x25e: {  	s1 =	rddreg [dreg:$0x1];
	p0 =	sne.s32 s2, $0x0  }
0x25f: {  	s3 =	rddreg [dreg:$0x2];
	[bflag:$0x3] =	sbarrier.arrive $0xFFFF;
	s2 =	simm.s32 @!p0 $0x1C03  }
0x260: {  	[timem:s3], [sflag:s2] =	dma.local @!p0 [hbm:s0], s1  }
0x261: {  	s0 =	simm.s32 @!p0 $0x3  }
0x262: {  	_ =	swait.ge @!p0 [sflag:s0], s1  }
0x263: {  	s1 =	ssub.s32 @!p0 $0x0, s1;
	[sflag:s0] =	ssyncset.done @!p0 $0x0  }
0x264: {  	[sflag:s0] =	ssyncadd.s32 @!p0 s1  }
0x265: {  	[bflag:$0x3] =	sbarrier.arrive $0xFFFF  }
0x266: {  	_ =	shalt  }

</sc_bundles>
